<compile_context>
chip_gen: v7x
topology: tpu7x:2x2x1
jax: 0.10.2.dev20260603
libtpu: 0.0.44.dev20260713+nightly
codegen_flags: <defaults>
</compile_context>

<pallas_src>
import functools

import jax
import jax.numpy as jnp
from jax import lax
from jax.experimental import pallas as pl
from jax.experimental.pallas import tpu as pltpu
from jax.experimental.pallas import tpu_sc as plsc

N = 10000
F = 128
HDIM = 128
G = 64
E = 320000

NC = 2
NS = 16
NW = NC * NS
CHUNK = 128
EPT = -(-E // NW)
C_TILE = -(-EPT // CHUNK)
E_PAD = NW * C_TILE * CHUNK

N_PAD = 10240
RPT = N_PAD // NS

BLK = 512
NB = N_PAD // BLK

_mesh = plsc.VectorSubcoreMesh(core_axis_name="c", subcore_axis_name="s")

CNT_W = 16


@functools.partial(
    pl.kernel,
    mesh=_mesh,
    out_type=jax.ShapeDtypeStruct((2, N_PAD, CNT_W), jnp.float32),
    scratch_types=[
        pltpu.VMEM((C_TILE, CHUNK), jnp.int32),
        pltpu.VMEM((CHUNK, CNT_W), jnp.float32),
        pltpu.VMEM((64, CNT_W), jnp.float32),
        pltpu.VMEM_SHARED((N_PAD, CNT_W), jnp.float32),
    ],
)
def _sc_count(col_hbm, out_hbm, col_v, ones_v, zb_v, cnt_sh):
    cid = lax.axis_index("c")
    sid = lax.axis_index("s")
    wid = sid * NC + cid

    @pl.loop(0, CHUNK)
    def _(i):
        ones_v[i, :] = jnp.ones((CNT_W,), jnp.float32)

    @pl.loop(0, 64)
    def _(i):
        zb_v[i, :] = jnp.zeros((CNT_W,), jnp.float32)

    @pl.loop(0, RPT, step=64)
    def _(r):
        pltpu.sync_copy(zb_v, cnt_sh.at[pl.ds(sid * RPT + r, 64)])

    plsc.subcore_barrier()
    pltpu.sync_copy(col_hbm.at[wid], col_v)

    @pl.loop(0, C_TILE)
    def _(c):
        pltpu.sync_copy(ones_v, cnt_sh.at[col_v.at[c]], add=True)

    plsc.subcore_barrier()
    pltpu.sync_copy(cnt_sh.at[pl.ds(sid * RPT, RPT)],
                    out_hbm.at[cid].at[pl.ds(sid * RPT, RPT)])


@functools.partial(
    pl.kernel,
    mesh=_mesh,
    out_type=jax.ShapeDtypeStruct((2, N_PAD, HDIM), jnp.float32),
    scratch_types=[
        pltpu.VMEM((C_TILE, CHUNK), jnp.int32),
        pltpu.VMEM((C_TILE, CHUNK), jnp.int32),
        pltpu.VMEM((CHUNK, HDIM), jnp.float32),
        pltpu.VMEM((64, HDIM), jnp.float32),
        pltpu.VMEM_SHARED((N_PAD, HDIM), jnp.float32),
        pltpu.SemaphoreType.DMA,
    ],
)
def _sc_agg(h_hbm, row_hbm, col_hbm, out_hbm,
            row_v, col_v, gbuf, zb_v, acc_sh, sem):
    cid = lax.axis_index("c")
    sid = lax.axis_index("s")
    wid = sid * NC + cid

    @pl.loop(0, 64)
    def _(i):
        @pl.loop(0, HDIM, step=16)
        def _(j):
            zb_v[i, pl.ds(j, 16)] = jnp.zeros((16,), jnp.float32)

    @pl.loop(0, RPT, step=64)
    def _(r):
        pltpu.sync_copy(zb_v, acc_sh.at[pl.ds(sid * RPT + r, 64)])

    plsc.subcore_barrier()
    pltpu.sync_copy(row_hbm.at[wid], row_v)
    pltpu.sync_copy(col_hbm.at[wid], col_v)

    @pl.loop(0, C_TILE)
    def _(c):
        pltpu.async_copy(h_hbm.at[row_v.at[c]], gbuf, sem).wait()
        pltpu.sync_copy(gbuf, acc_sh.at[col_v.at[c]], add=True)

    plsc.subcore_barrier()
    pltpu.sync_copy(acc_sh.at[pl.ds(sid * RPT, RPT)],
                    out_hbm.at[cid].at[pl.ds(sid * RPT, RPT)])


def _prep_body(cnt_ref, x_ref, w_ref, dinv_ref, hp_ref):
    deg = cnt_ref[0, :, 0:1] + cnt_ref[1, :, 0:1] + 1.0
    dinv = lax.rsqrt(deg)
    dinv_ref[...] = dinv
    h = jnp.dot(x_ref[...], w_ref[...], preferred_element_type=jnp.float32)
    hp_ref[...] = h * dinv


def _tc_prep(cnt, x_p, W1):
    return pl.pallas_call(
        _prep_body,
        grid=(NB,),
        in_specs=[
            pl.BlockSpec((2, BLK, CNT_W), lambda i: (0, i, 0)),
            pl.BlockSpec((BLK, F), lambda i: (i, 0)),
            pl.BlockSpec((F, HDIM), lambda i: (0, 0)),
        ],
        out_specs=[
            pl.BlockSpec((BLK, 1), lambda i: (i, 0)),
            pl.BlockSpec((BLK, HDIM), lambda i: (i, 0)),
        ],
        out_shape=[
            jax.ShapeDtypeStruct((N_PAD, 1), jnp.float32),
            jax.ShapeDtypeStruct((N_PAD, HDIM), jnp.float32),
        ],
    )(cnt, x_p, W1)


def _layer_body(agg_ref, hp_ref, dinv_ref, b_ref, w_ref, out_ref):
    dinv = dinv_ref[...]
    a = agg_ref[0] + agg_ref[1] + hp_ref[...]
    xn = jnp.maximum(dinv * a + b_ref[...], 0.0)
    h = jnp.dot(xn, w_ref[...], preferred_element_type=jnp.float32)
    out_ref[...] = h * dinv


def _tc_layer(agg, hp, dinv, b2d, Wn):
    return pl.pallas_call(
        _layer_body,
        grid=(NB,),
        in_specs=[
            pl.BlockSpec((2, BLK, HDIM), lambda i: (0, i, 0)),
            pl.BlockSpec((BLK, HDIM), lambda i: (i, 0)),
            pl.BlockSpec((BLK, 1), lambda i: (i, 0)),
            pl.BlockSpec((1, HDIM), lambda i: (0, 0)),
            pl.BlockSpec((HDIM, HDIM), lambda i: (0, 0)),
        ],
        out_specs=pl.BlockSpec((BLK, HDIM), lambda i: (i, 0)),
        out_shape=jax.ShapeDtypeStruct((N_PAD, HDIM), jnp.float32),
    )(agg, hp, dinv, b2d, Wn)


def _final_body(agg_ref, hp_ref, dinv_ref, b_ref, batch_ref, wl_ref, bl_ref,
                out_ref, pooled_acc, cnt_acc):
    i = pl.program_id(0)

    @pl.when(i == 0)
    def _():
        pooled_acc[...] = jnp.zeros_like(pooled_acc)
        cnt_acc[...] = jnp.zeros_like(cnt_acc)

    h3 = dinv_ref[...] * (agg_ref[0] + agg_ref[1] + hp_ref[...]) + b_ref[...]
    bvec = batch_ref[0, 0, :]
    gids = lax.broadcasted_iota(jnp.int32, (G, BLK), 0)
    mask = (bvec[None, :] == gids).astype(jnp.float32)
    pooled_acc[...] += jnp.dot(mask, h3, preferred_element_type=jnp.float32)
    cnt_acc[...] = cnt_acc[...] + jnp.sum(mask, axis=1, keepdims=True)

    @pl.when(i == NB - 1)
    def _():
        pooled = pooled_acc[...] / jnp.maximum(cnt_acc[...], 1.0)
        out_ref[...] = (
            jnp.dot(pooled, wl_ref[...], preferred_element_type=jnp.float32)
            + bl_ref[...]
        )


def _tc_final(agg, hp, dinv, b2d, batch3d, Wl, bl2d):
    return pl.pallas_call(
        _final_body,
        grid=(NB,),
        in_specs=[
            pl.BlockSpec((2, BLK, HDIM), lambda i: (0, i, 0)),
            pl.BlockSpec((BLK, HDIM), lambda i: (i, 0)),
            pl.BlockSpec((BLK, 1), lambda i: (i, 0)),
            pl.BlockSpec((1, HDIM), lambda i: (0, 0)),
            pl.BlockSpec((1, 1, BLK), lambda i: (i, 0, 0)),
            pl.BlockSpec((HDIM, 1), lambda i: (0, 0)),
            pl.BlockSpec((1, 1), lambda i: (0, 0)),
        ],
        out_specs=pl.BlockSpec((G, 1), lambda i: (0, 0)),
        out_shape=jax.ShapeDtypeStruct((G, 1), jnp.float32),
        scratch_shapes=[
            pltpu.VMEM((G, HDIM), jnp.float32),
            pltpu.VMEM((G, HDIM), jnp.float32),
        ],
    )(agg, hp, dinv, b2d, batch3d, Wl, bl2d)


def kernel(x, edge_index, batch, W1, b1, W2, b2, W3, b3, Wl, bl):
    row = edge_index[0]
    col = edge_index[1]
    row_p = jnp.concatenate(
        [row, jnp.zeros((E_PAD - E,), jnp.int32)]).reshape(NW, C_TILE, CHUNK)
    col_p = jnp.concatenate(
        [col, jnp.full((E_PAD - E,), N, jnp.int32)]).reshape(NW, C_TILE, CHUNK)
    x_p = jnp.pad(x, ((0, N_PAD - N), (0, 0)))
    batch3d = jnp.concatenate(
        [batch, jnp.full((N_PAD - N,), G, jnp.int32)]).reshape(NB, 1, BLK)
    b1d = b1.reshape(1, HDIM)
    b2d = b2.reshape(1, HDIM)
    b3d = b3.reshape(1, HDIM)
    bl2d = bl.reshape(1, 1)

    cnt = _sc_count(col_p)
    dinv, h1p = _tc_prep(cnt, x_p, W1)
    a1 = _sc_agg(h1p, row_p, col_p)
    h2p = _tc_layer(a1, h1p, dinv, b1d, W2)
    a2 = _sc_agg(h2p, row_p, col_p)
    h3p = _tc_layer(a2, h2p, dinv, b2d, W3)
    a3 = _sc_agg(h3p, row_p, col_p)
    return _tc_final(a3, h3p, dinv, b3d, batch3d, Wl, bl2d)

# --- scband reference (transcript-rebuilt; emitter-appended) ---
"""Pipeline reference for scband-gcn-29841432772911 (READ-ONLY COPY).

The authoritative reference and input builder live on the scoring server;
editing this copy changes nothing except your own understanding.
"""

import jax, jax.numpy as jnp
import numpy as np

N = 10000
E = 320000
F = 128
H = 128
G = 64

def setup_inputs(seed: int = 0) -> dict:
    key = jax.random.key(seed)
    ks = jax.random.split(key, 12)
    x = jax.random.normal(ks[0], (N, F), dtype=jnp.float32)
    edge_index = jax.random.randint(ks[1], (2, E), 0, N, dtype=jnp.int32)
    batch = jnp.sort(jax.random.randint(ks[2], (N,), 0, G, dtype=jnp.int32))
    s1 = 1.0 / np.sqrt(F)
    s2 = 1.0 / np.sqrt(H)
    W1 = jax.random.uniform(ks[3], (F, H), jnp.float32, -s1, s1)
    b1 = jnp.zeros((H,), jnp.float32)
    W2 = jax.random.uniform(ks[4], (H, H), jnp.float32, -s2, s2)
    b2 = jnp.zeros((H,), jnp.float32)
    W3 = jax.random.uniform(ks[5], (H, H), jnp.float32, -s2, s2)
    b3 = jnp.zeros((H,), jnp.float32)
    Wl = jax.random.uniform(ks[6], (H, 1), jnp.float32, -s2, s2)
    bl = jax.random.uniform(ks[7], (1,), jnp.float32, -s2, s2)
    return {"x": x, "edge_index": edge_index, "batch": batch,
            "W1": W1, "b1": b1, "W2": W2, "b2": b2, "W3": W3, "b3": b3,
            "Wl": Wl, "bl": bl}

def gcn_conv(x, edge_index, W, b):
    # PyG GCNConv: add self-loops, symmetric normalization, aggregate at target
    row = edge_index[0]
    col = edge_index[1]
    loop = jnp.arange(N, dtype=row.dtype)
    row = jnp.concatenate([row, loop])
    col = jnp.concatenate([col, loop])
    deg = jnp.zeros((N,), jnp.float32).at[col].add(1.0)
    dinv = jnp.where(deg > 0, deg ** -0.5, 0.0)
    norm = dinv[row] * dinv[col]
    h = x @ W
    msg = h[row] * norm[:, None]
    out = jnp.zeros((N, W.shape[1]), jnp.float32).at[col].add(msg)
    return out + b

def reference(x, edge_index, batch, W1, b1, W2, b2, W3, b3, Wl, bl):
    h = jax.nn.relu(gcn_conv(x, edge_index, W1, b1))
    h = jax.nn.relu(gcn_conv(h, edge_index, W2, b2))
    h = gcn_conv(h, edge_index, W3, b3)
    # global_mean_pool over batch ids
    sums = jax.ops.segment_sum(h, batch, num_segments=G)
    cnts = jax.ops.segment_sum(jnp.ones((N,), jnp.float32), batch, num_segments=G)
    pooled = sums / jnp.clip(cnts, 1.0)[:, None]
    # dropout p=0.5 in eval mode -> identity
    out = pooled @ Wl + bl
    return out

if __name__ == "__main__":
    import jax
    _d = setup_inputs()
    print(jax.jit(kernel)(*tuple(_d.values())))

</pallas_src>

<mosaic_0001>
#map = affine_map<(d0, d1) -> (0, 0, 0)>
module attributes {stable_mosaic.version = 14 : i64} {
  func.func @_sc_count(%arg0: i32, %arg1: i32, %arg2: memref<32x79x128xi32, #tpu.memory_space<hbm>>, %arg3: memref<2x10240x16xf32, #tpu.memory_space<hbm>>, %arg4: memref<79x128xi32, #tpu.memory_space<vmem>>, %arg5: memref<128x16xf32, #tpu.memory_space<vmem>>, %arg6: memref<64x16xf32, #tpu.memory_space<vmem>>, %arg7: memref<10240x16xf32, #tpu.memory_space<vmem_shared>>) attributes {dimension_semantics = [#tpu.dimension_semantics<core_parallel>, #tpu.dimension_semantics<subcore_parallel>], iteration_bounds = array<i64: 2, 16>, scalar_prefetch = 0 : i64, scratch_operands = 4 : i64, tpu.core_type = #tpu.core_type<sc_vector_subcore>, window_params = [{transform_indices = #map}, {transform_indices = #map}]} {
    %mul3A = arith.constant 2 : i32
    %mul3A_0 = arith.muli %arg1, %mul3A : i32
    %add3A = arith.addi %mul3A_0, %arg0 : i32
    %scan3A = arith.constant 0 : i32
    %scan3A_1 = arith.constant 128 : i32
    %scan3A_2 = arith.addi %scan3A, %scan3A_1 : i32
    %scan3A_3 = arith.constant 1 : i32
    scf.for %scan3A_25 = %scan3A to %scan3A_2 step %scan3A_3  : i32 {
      %mul3A_26 = arith.constant 1 : i32
      %mul3A_27 = arith.muli %scan3A_25, %mul3A_26 : i32
      %add3A_28 = arith.constant 0 : i32
      %add3A_29 = arith.addi %add3A_28, %mul3A_27 : i32
      %broadcast_in_dim3A = arith.constant 1.000000e+00 : f32
      %broadcast_in_dim3A_30 = vector.broadcast %broadcast_in_dim3A : f32 to vector<16xf32>
      %swap3A = arith.index_cast %add3A_29 : i32 to index
      %swap3A_31 = arith.constant 0 : index
      %swap3A_32 = tpu.vector_load %arg5[%swap3A, %swap3A_31] {strides = array<i32>} : memref<128x16xf32, #tpu.memory_space<vmem>>, vector<1x16xf32>,
      %swap3A_33 = vector.shape_cast %swap3A_32 : vector<1x16xf32> to vector<16xf32>
      %swap3A_34 = vector.shape_cast %broadcast_in_dim3A_30 : vector<16xf32> to vector<1x16xf32>
      tpu.vector_store %arg5[%swap3A, %swap3A_31], %swap3A_34 {strides = array<i32>} : memref<128x16xf32, #tpu.memory_space<vmem>>, vector<1x16xf32>,
    }
    %scan3A_4 = arith.constant 128 : i32
    %scan3A_5 = arith.constant 0 : i32
    %scan3A_6 = arith.constant 64 : i32
    %scan3A_7 = arith.addi %scan3A_5, %scan3A_6 : i32
    %scan3A_8 = arith.constant 1 : i32
    scf.for %scan3A_25 = %scan3A_5 to %scan3A_7 step %scan3A_8  : i32 {
      %mul3A_26 = arith.constant 1 : i32
      %mul3A_27 = arith.muli %scan3A_25, %mul3A_26 : i32
      %add3A_28 = arith.constant 0 : i32
      %add3A_29 = arith.addi %add3A_28, %mul3A_27 : i32
      %broadcast_in_dim3A = arith.constant 0.000000e+00 : f32
      %broadcast_in_dim3A_30 = vector.broadcast %broadcast_in_dim3A : f32 to vector<16xf32>
      %swap3A = arith.index_cast %add3A_29 : i32 to index
      %swap3A_31 = arith.constant 0 : index
      %swap3A_32 = tpu.vector_load %arg6[%swap3A, %swap3A_31] {strides = array<i32>} : memref<64x16xf32, #tpu.memory_space<vmem>>, vector<1x16xf32>,
      %swap3A_33 = vector.shape_cast %swap3A_32 : vector<1x16xf32> to vector<16xf32>
      %swap3A_34 = vector.shape_cast %broadcast_in_dim3A_30 : vector<16xf32> to vector<1x16xf32>
      tpu.vector_store %arg6[%swap3A, %swap3A_31], %swap3A_34 {strides = array<i32>} : memref<64x16xf32, #tpu.memory_space<vmem>>, vector<1x16xf32>,
    }
    %scan3A_9 = arith.constant 64 : i32
    %scan3A_10 = arith.constant 0 : i32
    %scan3A_11 = arith.constant 10 : i32
    %scan3A_12 = arith.addi %scan3A_10, %scan3A_11 : i32
    %scan3A_13 = arith.constant 1 : i32
    scf.for %scan3A_25 = %scan3A_10 to %scan3A_12 step %scan3A_13  : i32 {
      %mul3A_26 = arith.constant 64 : i32
      %mul3A_27 = arith.muli %scan3A_25, %mul3A_26 : i32
      %add3A_28 = arith.constant 0 : i32
      %add3A_29 = arith.addi %add3A_28, %mul3A_27 : i32
      %mul3A_30 = arith.constant 640 : i32
      %mul3A_31 = arith.muli %arg1, %mul3A_30 : i32
      %add3A_32 = arith.addi %mul3A_31, %add3A_29 : i32
      "tpu.region"() ({
        %run_scoped3A = tpu.sem_alloc : memref<!tpu.dma_semaphore, #tpu.memory_space<semaphore_mem>>
        %dma_start3A = arith.constant 0 : i32
        %dma_start3A_33 = tpu.memref_slice %arg7[%add3A_32, %dma_start3A] : memref<10240x16xf32, #tpu.memory_space<vmem_shared>> -> memref<64x16xf32, #tpu.memory_space<vmem_shared>>
        %dma_start3A_34 = arith.constant 0 : i32
        %dma_start3A_35 = tpu.memref_slice %arg7[%add3A_32, %dma_start3A_34] : memref<10240x16xf32, #tpu.memory_space<vmem_shared>> -> memref<64x16xf32, #tpu.memory_space<vmem_shared>>
        tpu.enqueue_dma source(%arg6 : memref<64x16xf32, #tpu.memory_space<vmem>>) target(%dma_start3A_35 : memref<64x16xf32, #tpu.memory_space<vmem_shared>>) target_semaphore(%run_scoped3A : memref<!tpu.dma_semaphore, #tpu.memory_space<semaphore_mem>>)
        %dma_wait3A = arith.constant 0 : i32
        %dma_wait3A_36 = tpu.memref_slice %arg7[%add3A_32, %dma_wait3A] : memref<10240x16xf32, #tpu.memory_space<vmem_shared>> -> memref<64x16xf32, #tpu.memory_space<vmem_shared>>
        %dma_wait3A_37 = arith.constant 0 : i32
        %dma_wait3A_38 = tpu.memref_slice %arg7[%add3A_32, %dma_wait3A_37] : memref<10240x16xf32, #tpu.memory_space<vmem_shared>> -> memref<64x16xf32, #tpu.memory_space<vmem_shared>>
        tpu.wait_dma2 semaphore(%run_scoped3A : memref<!tpu.dma_semaphore, #tpu.memory_space<semaphore_mem>>) src(%arg6 : memref<64x16xf32, #tpu.memory_space<vmem>>) dst(%dma_wait3A_38 : memref<64x16xf32, #tpu.memory_space<vmem_shared>>)
        tpu.yield
      }) : () -> ()
    }
    %scan3A_14 = arith.constant 10 : i32
    %barrier3A = arith.constant 0 : index
    tpu.barrier barrier_id(%barrier3A)
    "tpu.region"() ({
      %run_scoped3A = tpu.sem_alloc : memref<!tpu.dma_semaphore, #tpu.memory_space<semaphore_mem>>
      %dma_start3A = arith.constant 0 : i32
      %dma_start3A_25 = arith.constant 0 : i32
      %dma_start3A_26 = tpu.memref_slice %arg2[%add3A, %dma_start3A, %dma_start3A_25] : memref<32x79x128xi32, #tpu.memory_space<hbm>> -> memref<1x79x128xi32, #tpu.memory_space<hbm>>
      %dma_start3A_27 = tpu.memref_squeeze %dma_start3A_26 : memref<1x79x128xi32, #tpu.memory_space<hbm>> -> memref<79x128xi32, #tpu.memory_space<hbm>>
      %dma_start3A_28 = arith.constant 0 : i32
      %dma_start3A_29 = arith.constant 0 : i32
      %dma_start3A_30 = tpu.memref_slice %arg2[%add3A, %dma_start3A_28, %dma_start3A_29] : memref<32x79x128xi32, #tpu.memory_space<hbm>> -> memref<1x79x128xi32, #tpu.memory_space<hbm>>
      %dma_start3A_31 = tpu.memref_squeeze %dma_start3A_30 : memref<1x79x128xi32, #tpu.memory_space<hbm>> -> memref<79x128xi32, #tpu.memory_space<hbm>>
      tpu.enqueue_dma source(%dma_start3A_31 : memref<79x128xi32, #tpu.memory_space<hbm>>) target(%arg4 : memref<79x128xi32, #tpu.memory_space<vmem>>) target_semaphore(%run_scoped3A : memref<!tpu.dma_semaphore, #tpu.memory_space<semaphore_mem>>)
      %dma_wait3A = arith.constant 0 : i32
      %dma_wait3A_32 = arith.constant 0 : i32
      %dma_wait3A_33 = tpu.memref_slice %arg2[%add3A, %dma_wait3A, %dma_wait3A_32] : memref<32x79x128xi32, #tpu.memory_space<hbm>> -> memref<1x79x128xi32, #tpu.memory_space<hbm>>
      %dma_wait3A_34 = tpu.memref_squeeze %dma_wait3A_33 : memref<1x79x128xi32, #tpu.memory_space<hbm>> -> memref<79x128xi32, #tpu.memory_space<hbm>>
      %dma_wait3A_35 = arith.constant 0 : i32
      %dma_wait3A_36 = arith.constant 0 : i32
      %dma_wait3A_37 = tpu.memref_slice %arg2[%add3A, %dma_wait3A_35, %dma_wait3A_36] : memref<32x79x128xi32, #tpu.memory_space<hbm>> -> memref<1x79x128xi32, #tpu.memory_space<hbm>>
      %dma_wait3A_38 = tpu.memref_squeeze %dma_wait3A_37 : memref<1x79x128xi32, #tpu.memory_space<hbm>> -> memref<79x128xi32, #tpu.memory_space<hbm>>
      tpu.wait_dma2 semaphore(%run_scoped3A : memref<!tpu.dma_semaphore, #tpu.memory_space<semaphore_mem>>) src(%dma_wait3A_38 : memref<79x128xi32, #tpu.memory_space<hbm>>) dst(%arg4 : memref<79x128xi32, #tpu.memory_space<vmem>>)
      tpu.yield
    }) : () -> ()
    %scan3A_15 = arith.constant 0 : i32
    %scan3A_16 = arith.constant 79 : i32
    %scan3A_17 = arith.addi %scan3A_15, %scan3A_16 : i32
    %scan3A_18 = arith.constant 1 : i32
    scf.for %scan3A_25 = %scan3A_15 to %scan3A_17 step %scan3A_18  : i32 {
      %mul3A_26 = arith.constant 1 : i32
      %mul3A_27 = arith.muli %scan3A_25, %mul3A_26 : i32
      %add3A_28 = arith.constant 0 : i32
      %add3A_29 = arith.addi %add3A_28, %mul3A_27 : i32
      "tpu.region"() ({
        %run_scoped3A = tpu.sem_alloc : memref<!tpu.dma_semaphore, #tpu.memory_space<semaphore_mem>>
        %dma_start3A = arith.constant 0 : i32
        %dma_start3A_30 = tpu.memref_slice %arg4[%add3A_29, %dma_start3A] : memref<79x128xi32, #tpu.memory_space<vmem>> -> memref<1x128xi32, #tpu.memory_space<vmem>>
        %dma_start3A_31 = tpu.memref_squeeze %dma_start3A_30 : memref<1x128xi32, #tpu.memory_space<vmem>> -> memref<128xi32, #tpu.memory_space<vmem>>
        %dma_start3A_32 = arith.constant 0 : i32
        %dma_start3A_33 = arith.constant 0 : i32
        %dma_start3A_34 = tpu.memref_slice %arg7[%dma_start3A_32, %dma_start3A_33] : memref<10240x16xf32, #tpu.memory_space<vmem_shared>> -> memref<10240x16xf32, #tpu.memory_space<vmem_shared>>
        tpu.enqueue_indirect_dma source(%arg5 : memref<128x16xf32, #tpu.memory_space<vmem>>) target(%dma_start3A_34 : memref<10240x16xf32, #tpu.memory_space<vmem_shared>>) offsets(%dma_start3A_31 : memref<128xi32, #tpu.memory_space<vmem>>) semaphore(%run_scoped3A : memref<!tpu.dma_semaphore, #tpu.memory_space<semaphore_mem>>) {add = true}
        %dma_wait3A = arith.constant 0 : i32
        %dma_wait3A_35 = tpu.memref_slice %arg4[%add3A_29, %dma_wait3A] : memref<79x128xi32, #tpu.memory_space<vmem>> -> memref<1x128xi32, #tpu.memory_space<vmem>>
        %dma_wait3A_36 = tpu.memref_squeeze %dma_wait3A_35 : memref<1x128xi32, #tpu.memory_space<vmem>> -> memref<128xi32, #tpu.memory_space<vmem>>
        %dma_wait3A_37 = arith.constant 0 : i32
        %dma_wait3A_38 = arith.constant 0 : i32
        %dma_wait3A_39 = tpu.memref_slice %arg7[%dma_wait3A_37, %dma_wait3A_38] : memref<10240x16xf32, #tpu.memory_space<vmem_shared>> -> memref<10240x16xf32, #tpu.memory_space<vmem_shared>>
        tpu.wait_indirect_dma semaphore(%run_scoped3A : memref<!tpu.dma_semaphore, #tpu.memory_space<semaphore_mem>>) src(%arg5 : memref<128x16xf32, #tpu.memory_space<vmem>>) dst(%dma_wait3A_39 : memref<10240x16xf32, #tpu.memory_space<vmem_shared>>)
        tpu.yield
      }) : () -> ()
    }
    %scan3A_19 = arith.constant 79 : i32
    %barrier3A_20 = arith.constant 0 : index
    tpu.barrier barrier_id(%barrier3A_20)
    %mul3A_21 = arith.constant 640 : i32
    %mul3A_22 = arith.muli %arg1, %mul3A_21 : i32
    %mul3A_23 = arith.constant 640 : i32
    %mul3A_24 = arith.muli %arg1, %mul3A_23 : i32
    "tpu.region"() ({
      %run_scoped3A = tpu.sem_alloc : memref<!tpu.dma_semaphore, #tpu.memory_space<semaphore_mem>>
      %dma_start3A = arith.constant 0 : i32
      %dma_start3A_25 = arith.constant 0 : i32
      %dma_start3A_26 = tpu.memref_slice %arg3[%arg0, %dma_start3A, %dma_start3A_25] : memref<2x10240x16xf32, #tpu.memory_space<hbm>> -> memref<1x10240x16xf32, #tpu.memory_space<hbm>>
      %dma_start3A_27 = tpu.memref_squeeze %dma_start3A_26 : memref<1x10240x16xf32, #tpu.memory_space<hbm>> -> memref<10240x16xf32, #tpu.memory_space<hbm>>
      %dma_start3A_28 = arith.constant 0 : i32
      %dma_start3A_29 = tpu.memref_slice %dma_start3A_27[%mul3A_24, %dma_start3A_28] : memref<10240x16xf32, #tpu.memory_space<hbm>> -> memref<640x16xf32, #tpu.memory_space<hbm>>
      %dma_start3A_30 = arith.constant 0 : i32
      %dma_start3A_31 = tpu.memref_slice %arg7[%mul3A_22, %dma_start3A_30] : memref<10240x16xf32, #tpu.memory_space<vmem_shared>> -> memref<640x16xf32, #tpu.memory_space<vmem_shared>>
      tpu.enqueue_dma source(%dma_start3A_31 : memref<640x16xf32, #tpu.memory_space<vmem_shared>>) target(%dma_start3A_29 : memref<640x16xf32, #tpu.memory_space<hbm>>) target_semaphore(%run_scoped3A : memref<!tpu.dma_semaphore, #tpu.memory_space<semaphore_mem>>)
      %dma_wait3A = arith.constant 0 : i32
      %dma_wait3A_32 = arith.constant 0 : i32
      %dma_wait3A_33 = tpu.memref_slice %arg3[%arg0, %dma_wait3A, %dma_wait3A_32] : memref<2x10240x16xf32, #tpu.memory_space<hbm>> -> memref<1x10240x16xf32, #tpu.memory_space<hbm>>
      %dma_wait3A_34 = tpu.memref_squeeze %dma_wait3A_33 : memref<1x10240x16xf32, #tpu.memory_space<hbm>> -> memref<10240x16xf32, #tpu.memory_space<hbm>>
      %dma_wait3A_35 = arith.constant 0 : i32
      %dma_wait3A_36 = tpu.memref_slice %dma_wait3A_34[%mul3A_24, %dma_wait3A_35] : memref<10240x16xf32, #tpu.memory_space<hbm>> -> memref<640x16xf32, #tpu.memory_space<hbm>>
      %dma_wait3A_37 = arith.constant 0 : i32
      %dma_wait3A_38 = tpu.memref_slice %arg7[%mul3A_22, %dma_wait3A_37] : memref<10240x16xf32, #tpu.memory_space<vmem_shared>> -> memref<640x16xf32, #tpu.memory_space<vmem_shared>>
      tpu.wait_dma2 semaphore(%run_scoped3A : memref<!tpu.dma_semaphore, #tpu.memory_space<semaphore_mem>>) src(%dma_wait3A_38 : memref<640x16xf32, #tpu.memory_space<vmem_shared>>) dst(%dma_wait3A_36 : memref<640x16xf32, #tpu.memory_space<hbm>>)
      tpu.yield
    }) : () -> ()
    return
  }
}

#map = affine_map<(d0, d1) -> (0, 0)>
#map1 = affine_map<(d0, d1) -> (0, 0, 0)>
module attributes {stable_mosaic.version = 14 : i64} {
  func.func @_sc_agg(%arg0: i32, %arg1: i32, %arg2: memref<10240x128xf32, #tpu.memory_space<hbm>>, %arg3: memref<32x79x128xi32, #tpu.memory_space<hbm>>, %arg4: memref<32x79x128xi32, #tpu.memory_space<hbm>>, %arg5: memref<2x10240x128xf32, #tpu.memory_space<hbm>>, %arg6: memref<79x128xi32, #tpu.memory_space<vmem>>, %arg7: memref<79x128xi32, #tpu.memory_space<vmem>>, %arg8: memref<128x128xf32, #tpu.memory_space<vmem>>, %arg9: memref<64x128xf32, #tpu.memory_space<vmem>>, %arg10: memref<10240x128xf32, #tpu.memory_space<vmem_shared>>, %arg11: memref<!tpu.dma_semaphore, #tpu.memory_space<semaphore_mem>>) attributes {dimension_semantics = [#tpu.dimension_semantics<core_parallel>, #tpu.dimension_semantics<subcore_parallel>], iteration_bounds = array<i64: 2, 16>, scalar_prefetch = 0 : i64, scratch_operands = 6 : i64, tpu.core_type = #tpu.core_type<sc_vector_subcore>, window_params = [{transform_indices = #map}, {transform_indices = #map1}, {transform_indices = #map1}, {transform_indices = #map1}]} {
    %mul3A = arith.constant 2 : i32
    %mul3A_0 = arith.muli %arg1, %mul3A : i32
    %add3A = arith.addi %mul3A_0, %arg0 : i32
    %scan3A = arith.constant 0 : i32
    %scan3A_1 = arith.constant 64 : i32
    %scan3A_2 = arith.addi %scan3A, %scan3A_1 : i32
    %scan3A_3 = arith.constant 1 : i32
    scf.for %scan3A_20 = %scan3A to %scan3A_2 step %scan3A_3  : i32 {
      %mul3A_21 = arith.constant 1 : i32
      %mul3A_22 = arith.muli %scan3A_20, %mul3A_21 : i32
      %add3A_23 = arith.constant 0 : i32
      %add3A_24 = arith.addi %add3A_23, %mul3A_22 : i32
      %scan3A_25 = arith.constant 0 : i32
      %scan3A_26 = arith.constant 8 : i32
      %scan3A_27 = arith.addi %scan3A_25, %scan3A_26 : i32
      %scan3A_28 = arith.constant 1 : i32
      scf.for %scan3A_30 = %scan3A_25 to %scan3A_27 step %scan3A_28  : i32 {
        %mul3A_31 = arith.constant 16 : i32
        %mul3A_32 = arith.muli %scan3A_30, %mul3A_31 : i32
        %add3A_33 = arith.constant 0 : i32
        %add3A_34 = arith.addi %add3A_33, %mul3A_32 : i32
        %broadcast_in_dim3A = arith.constant 0.000000e+00 : f32
        %broadcast_in_dim3A_35 = vector.broadcast %broadcast_in_dim3A : f32 to vector<16xf32>
        %swap3A = arith.index_cast %add3A_24 : i32 to index
        %swap3A_36 = arith.index_cast %add3A_34 : i32 to index
        %swap3A_37 = tpu.vector_load %arg9[%swap3A, %swap3A_36] {strides = array<i32>} : memref<64x128xf32, #tpu.memory_space<vmem>>, vector<1x16xf32>,
        %swap3A_38 = vector.shape_cast %swap3A_37 : vector<1x16xf32> to vector<16xf32>
        %swap3A_39 = vector.shape_cast %broadcast_in_dim3A_35 : vector<16xf32> to vector<1x16xf32>
        tpu.vector_store %arg9[%swap3A, %swap3A_36], %swap3A_39 {strides = array<i32>} : memref<64x128xf32, #tpu.memory_space<vmem>>, vector<1x16xf32>,
      }
      %scan3A_29 = arith.constant 8 : i32
    }
    %scan3A_4 = arith.constant 64 : i32
    %scan3A_5 = arith.constant 0 : i32
    %scan3A_6 = arith.constant 10 : i32
    %scan3A_7 = arith.addi %scan3A_5, %scan3A_6 : i32
    %scan3A_8 = arith.constant 1 : i32
    scf.for %scan3A_20 = %scan3A_5 to %scan3A_7 step %scan3A_8  : i32 {
      %mul3A_21 = arith.constant 64 : i32
      %mul3A_22 = arith.muli %scan3A_20, %mul3A_21 : i32
      %add3A_23 = arith.constant 0 : i32
      %add3A_24 = arith.addi %add3A_23, %mul3A_22 : i32
      %mul3A_25 = arith.constant 640 : i32
      %mul3A_26 = arith.muli %arg1, %mul3A_25 : i32
      %add3A_27 = arith.addi %mul3A_26, %add3A_24 : i32
      "tpu.region"() ({
        %run_scoped3A = tpu.sem_alloc : memref<!tpu.dma_semaphore, #tpu.memory_space<semaphore_mem>>
        %dma_start3A = arith.constant 0 : i32
        %dma_start3A_28 = tpu.memref_slice %arg10[%add3A_27, %dma_start3A] : memref<10240x128xf32, #tpu.memory_space<vmem_shared>> -> memref<64x128xf32, #tpu.memory_space<vmem_shared>>
        %dma_start3A_29 = arith.constant 0 : i32
        %dma_start3A_30 = tpu.memref_slice %arg10[%add3A_27, %dma_start3A_29] : memref<10240x128xf32, #tpu.memory_space<vmem_shared>> -> memref<64x128xf32, #tpu.memory_space<vmem_shared>>
        tpu.enqueue_dma source(%arg9 : memref<64x128xf32, #tpu.memory_space<vmem>>) target(%dma_start3A_30 : memref<64x128xf32, #tpu.memory_space<vmem_shared>>) target_semaphore(%run_scoped3A : memref<!tpu.dma_semaphore, #tpu.memory_space<semaphore_mem>>)
        %dma_wait3A = arith.constant 0 : i32
        %dma_wait3A_31 = tpu.memref_slice %arg10[%add3A_27, %dma_wait3A] : memref<10240x128xf32, #tpu.memory_space<vmem_shared>> -> memref<64x128xf32, #tpu.memory_space<vmem_shared>>
        %dma_wait3A_32 = arith.constant 0 : i32
        %dma_wait3A_33 = tpu.memref_slice %arg10[%add3A_27, %dma_wait3A_32] : memref<10240x128xf32, #tpu.memory_space<vmem_shared>> -> memref<64x128xf32, #tpu.memory_space<vmem_shared>>
        tpu.wait_dma2 semaphore(%run_scoped3A : memref<!tpu.dma_semaphore, #tpu.memory_space<semaphore_mem>>) src(%arg9 : memref<64x128xf32, #tpu.memory_space<vmem>>) dst(%dma_wait3A_33 : memref<64x128xf32, #tpu.memory_space<vmem_shared>>)
        tpu.yield
      }) : () -> ()
    }
    %scan3A_9 = arith.constant 10 : i32
    %barrier3A = arith.constant 0 : index
    tpu.barrier barrier_id(%barrier3A)
    "tpu.region"() ({
      %run_scoped3A = tpu.sem_alloc : memref<!tpu.dma_semaphore, #tpu.memory_space<semaphore_mem>>
      %dma_start3A = arith.constant 0 : i32
      %dma_start3A_20 = arith.constant 0 : i32
      %dma_start3A_21 = tpu.memref_slice %arg3[%add3A, %dma_start3A, %dma_start3A_20] : memref<32x79x128xi32, #tpu.memory_space<hbm>> -> memref<1x79x128xi32, #tpu.memory_space<hbm>>
      %dma_start3A_22 = tpu.memref_squeeze %dma_start3A_21 : memref<1x79x128xi32, #tpu.memory_space<hbm>> -> memref<79x128xi32, #tpu.memory_space<hbm>>
      %dma_start3A_23 = arith.constant 0 : i32
      %dma_start3A_24 = arith.constant 0 : i32
      %dma_start3A_25 = tpu.memref_slice %arg3[%add3A, %dma_start3A_23, %dma_start3A_24] : memref<32x79x128xi32, #tpu.memory_space<hbm>> -> memref<1x79x128xi32, #tpu.memory_space<hbm>>
      %dma_start3A_26 = tpu.memref_squeeze %dma_start3A_25 : memref<1x79x128xi32, #tpu.memory_space<hbm>> -> memref<79x128xi32, #tpu.memory_space<hbm>>
      tpu.enqueue_dma source(%dma_start3A_26 : memref<79x128xi32, #tpu.memory_space<hbm>>) target(%arg6 : memref<79x128xi32, #tpu.memory_space<vmem>>) target_semaphore(%run_scoped3A : memref<!tpu.dma_semaphore, #tpu.memory_space<semaphore_mem>>)
      %dma_wait3A = arith.constant 0 : i32
      %dma_wait3A_27 = arith.constant 0 : i32
      %dma_wait3A_28 = tpu.memref_slice %arg3[%add3A, %dma_wait3A, %dma_wait3A_27] : memref<32x79x128xi32, #tpu.memory_space<hbm>> -> memref<1x79x128xi32, #tpu.memory_space<hbm>>
      %dma_wait3A_29 = tpu.memref_squeeze %dma_wait3A_28 : memref<1x79x128xi32, #tpu.memory_space<hbm>> -> memref<79x128xi32, #tpu.memory_space<hbm>>
      %dma_wait3A_30 = arith.constant 0 : i32
      %dma_wait3A_31 = arith.constant 0 : i32
      %dma_wait3A_32 = tpu.memref_slice %arg3[%add3A, %dma_wait3A_30, %dma_wait3A_31] : memref<32x79x128xi32, #tpu.memory_space<hbm>> -> memref<1x79x128xi32, #tpu.memory_space<hbm>>
      %dma_wait3A_33 = tpu.memref_squeeze %dma_wait3A_32 : memref<1x79x128xi32, #tpu.memory_space<hbm>> -> memref<79x128xi32, #tpu.memory_space<hbm>>
      tpu.wait_dma2 semaphore(%run_scoped3A : memref<!tpu.dma_semaphore, #tpu.memory_space<semaphore_mem>>) src(%dma_wait3A_33 : memref<79x128xi32, #tpu.memory_space<hbm>>) dst(%arg6 : memref<79x128xi32, #tpu.memory_space<vmem>>)
      tpu.yield
    }) : () -> ()
    "tpu.region"() ({
      %run_scoped3A = tpu.sem_alloc : memref<!tpu.dma_semaphore, #tpu.memory_space<semaphore_mem>>
      %dma_start3A = arith.constant 0 : i32
      %dma_start3A_20 = arith.constant 0 : i32
      %dma_start3A_21 = tpu.memref_slice %arg4[%add3A, %dma_start3A, %dma_start3A_20] : memref<32x79x128xi32, #tpu.memory_space<hbm>> -> memref<1x79x128xi32, #tpu.memory_space<hbm>>
      %dma_start3A_22 = tpu.memref_squeeze %dma_start3A_21 : memref<1x79x128xi32, #tpu.memory_space<hbm>> -> memref<79x128xi32, #tpu.memory_space<hbm>>
      %dma_start3A_23 = arith.constant 0 : i32
      %dma_start3A_24 = arith.constant 0 : i32
      %dma_start3A_25 = tpu.memref_slice %arg4[%add3A, %dma_start3A_23, %dma_start3A_24] : memref<32x79x128xi32, #tpu.memory_space<hbm>> -> memref<1x79x128xi32, #tpu.memory_space<hbm>>
      %dma_start3A_26 = tpu.memref_squeeze %dma_start3A_25 : memref<1x79x128xi32, #tpu.memory_space<hbm>> -> memref<79x128xi32, #tpu.memory_space<hbm>>
      tpu.enqueue_dma source(%dma_start3A_26 : memref<79x128xi32, #tpu.memory_space<hbm>>) target(%arg7 : memref<79x128xi32, #tpu.memory_space<vmem>>) target_semaphore(%run_scoped3A : memref<!tpu.dma_semaphore, #tpu.memory_space<semaphore_mem>>)
      %dma_wait3A = arith.constant 0 : i32
      %dma_wait3A_27 = arith.constant 0 : i32
      %dma_wait3A_28 = tpu.memref_slice %arg4[%add3A, %dma_wait3A, %dma_wait3A_27] : memref<32x79x128xi32, #tpu.memory_space<hbm>> -> memref<1x79x128xi32, #tpu.memory_space<hbm>>
      %dma_wait3A_29 = tpu.memref_squeeze %dma_wait3A_28 : memref<1x79x128xi32, #tpu.memory_space<hbm>> -> memref<79x128xi32, #tpu.memory_space<hbm>>
      %dma_wait3A_30 = arith.constant 0 : i32
      %dma_wait3A_31 = arith.constant 0 : i32
      %dma_wait3A_32 = tpu.memref_slice %arg4[%add3A, %dma_wait3A_30, %dma_wait3A_31] : memref<32x79x128xi32, #tpu.memory_space<hbm>> -> memref<1x79x128xi32, #tpu.memory_space<hbm>>
      %dma_wait3A_33 = tpu.memref_squeeze %dma_wait3A_32 : memref<1x79x128xi32, #tpu.memory_space<hbm>> -> memref<79x128xi32, #tpu.memory_space<hbm>>
      tpu.wait_dma2 semaphore(%run_scoped3A : memref<!tpu.dma_semaphore, #tpu.memory_space<semaphore_mem>>) src(%dma_wait3A_33 : memref<79x128xi32, #tpu.memory_space<hbm>>) dst(%arg7 : memref<79x128xi32, #tpu.memory_space<vmem>>)
      tpu.yield
    }) : () -> ()
    %scan3A_10 = arith.constant 0 : i32
    %scan3A_11 = arith.constant 79 : i32
    %scan3A_12 = arith.addi %scan3A_10, %scan3A_11 : i32
    %scan3A_13 = arith.constant 1 : i32
    scf.for %scan3A_20 = %scan3A_10 to %scan3A_12 step %scan3A_13  : i32 {
      %mul3A_21 = arith.constant 1 : i32
      %mul3A_22 = arith.muli %scan3A_20, %mul3A_21 : i32
      %add3A_23 = arith.constant 0 : i32
      %add3A_24 = arith.addi %add3A_23, %mul3A_22 : i32
      %dma_start3A = arith.constant 0 : i32
      %dma_start3A_25 = tpu.memref_slice %arg6[%add3A_24, %dma_start3A] : memref<79x128xi32, #tpu.memory_space<vmem>> -> memref<1x128xi32, #tpu.memory_space<vmem>>
      %dma_start3A_26 = tpu.memref_squeeze %dma_start3A_25 : memref<1x128xi32, #tpu.memory_space<vmem>> -> memref<128xi32, #tpu.memory_space<vmem>>
      %dma_start3A_27 = arith.constant 0 : i32
      %dma_start3A_28 = arith.constant 0 : i32
      %dma_start3A_29 = tpu.memref_slice %arg2[%dma_start3A_27, %dma_start3A_28] : memref<10240x128xf32, #tpu.memory_space<hbm>> -> memref<10240x128xf32, #tpu.memory_space<hbm>>
      tpu.enqueue_indirect_dma source(%dma_start3A_29 : memref<10240x128xf32, #tpu.memory_space<hbm>>) target(%arg8 : memref<128x128xf32, #tpu.memory_space<vmem>>) offsets(%dma_start3A_26 : memref<128xi32, #tpu.memory_space<vmem>>) semaphore(%arg11 : memref<!tpu.dma_semaphore, #tpu.memory_space<semaphore_mem>>)
      %dma_wait3A = arith.constant 0 : i32
      %dma_wait3A_30 = tpu.memref_slice %arg6[%add3A_24, %dma_wait3A] : memref<79x128xi32, #tpu.memory_space<vmem>> -> memref<1x128xi32, #tpu.memory_space<vmem>>
      %dma_wait3A_31 = tpu.memref_squeeze %dma_wait3A_30 : memref<1x128xi32, #tpu.memory_space<vmem>> -> memref<128xi32, #tpu.memory_space<vmem>>
      %dma_wait3A_32 = arith.constant 0 : i32
      %dma_wait3A_33 = arith.constant 0 : i32
      %dma_wait3A_34 = tpu.memref_slice %arg2[%dma_wait3A_32, %dma_wait3A_33] : memref<10240x128xf32, #tpu.memory_space<hbm>> -> memref<10240x128xf32, #tpu.memory_space<hbm>>
      tpu.wait_indirect_dma semaphore(%arg11 : memref<!tpu.dma_semaphore, #tpu.memory_space<semaphore_mem>>) src(%dma_wait3A_34 : memref<10240x128xf32, #tpu.memory_space<hbm>>) dst(%arg8 : memref<128x128xf32, #tpu.memory_space<vmem>>)
      "tpu.region"() ({
        %run_scoped3A = tpu.sem_alloc : memref<!tpu.dma_semaphore, #tpu.memory_space<semaphore_mem>>
        %dma_start3A_35 = arith.constant 0 : i32
        %dma_start3A_36 = tpu.memref_slice %arg7[%add3A_24, %dma_start3A_35] : memref<79x128xi32, #tpu.memory_space<vmem>> -> memref<1x128xi32, #tpu.memory_space<vmem>>
        %dma_start3A_37 = tpu.memref_squeeze %dma_start3A_36 : memref<1x128xi32, #tpu.memory_space<vmem>> -> memref<128xi32, #tpu.memory_space<vmem>>
        %dma_start3A_38 = arith.constant 0 : i32
        %dma_start3A_39 = arith.constant 0 : i32
        %dma_start3A_40 = tpu.memref_slice %arg10[%dma_start3A_38, %dma_start3A_39] : memref<10240x128xf32, #tpu.memory_space<vmem_shared>> -> memref<10240x128xf32, #tpu.memory_space<vmem_shared>>
        tpu.enqueue_indirect_dma source(%arg8 : memref<128x128xf32, #tpu.memory_space<vmem>>) target(%dma_start3A_40 : memref<10240x128xf32, #tpu.memory_space<vmem_shared>>) offsets(%dma_start3A_37 : memref<128xi32, #tpu.memory_space<vmem>>) semaphore(%run_scoped3A : memref<!tpu.dma_semaphore, #tpu.memory_space<semaphore_mem>>) {add = true}
        %dma_wait3A_41 = arith.constant 0 : i32
        %dma_wait3A_42 = tpu.memref_slice %arg7[%add3A_24, %dma_wait3A_41] : memref<79x128xi32, #tpu.memory_space<vmem>> -> memref<1x128xi32, #tpu.memory_space<vmem>>
        %dma_wait3A_43 = tpu.memref_squeeze %dma_wait3A_42 : memref<1x128xi32, #tpu.memory_space<vmem>> -> memref<128xi32, #tpu.memory_space<vmem>>
        %dma_wait3A_44 = arith.constant 0 : i32
        %dma_wait3A_45 = arith.constant 0 : i32
        %dma_wait3A_46 = tpu.memref_slice %arg10[%dma_wait3A_44, %dma_wait3A_45] : memref<10240x128xf32, #tpu.memory_space<vmem_shared>> -> memref<10240x128xf32, #tpu.memory_space<vmem_shared>>
        tpu.wait_indirect_dma semaphore(%run_scoped3A : memref<!tpu.dma_semaphore, #tpu.memory_space<semaphore_mem>>) src(%arg8 : memref<128x128xf32, #tpu.memory_space<vmem>>) dst(%dma_wait3A_46 : memref<10240x128xf32, #tpu.memory_space<vmem_shared>>)
        tpu.yield
      }) : () -> ()
    }
    %scan3A_14 = arith.constant 79 : i32
    %barrier3A_15 = arith.constant 0 : index
    tpu.barrier barrier_id(%barrier3A_15)
    %mul3A_16 = arith.constant 640 : i32
    %mul3A_17 = arith.muli %arg1, %mul3A_16 : i32
    %mul3A_18 = arith.constant 640 : i32
    %mul3A_19 = arith.muli %arg1, %mul3A_18 : i32
    "tpu.region"() ({
      %run_scoped3A = tpu.sem_alloc : memref<!tpu.dma_semaphore, #tpu.memory_space<semaphore_mem>>
      %dma_start3A = arith.constant 0 : i32
      %dma_start3A_20 = arith.constant 0 : i32
      %dma_start3A_21 = tpu.memref_slice %arg5[%arg0, %dma_start3A, %dma_start3A_20] : memref<2x10240x128xf32, #tpu.memory_space<hbm>> -> memref<1x10240x128xf32, #tpu.memory_space<hbm>>
      %dma_start3A_22 = tpu.memref_squeeze %dma_start3A_21 : memref<1x10240x128xf32, #tpu.memory_space<hbm>> -> memref<10240x128xf32, #tpu.memory_space<hbm>>
      %dma_start3A_23 = arith.constant 0 : i32
      %dma_start3A_24 = tpu.memref_slice %dma_start3A_22[%mul3A_19, %dma_start3A_23] : memref<10240x128xf32, #tpu.memory_space<hbm>> -> memref<640x128xf32, #tpu.memory_space<hbm>>
      %dma_start3A_25 = arith.constant 0 : i32
      %dma_start3A_26 = tpu.memref_slice %arg10[%mul3A_17, %dma_start3A_25] : memref<10240x128xf32, #tpu.memory_space<vmem_shared>> -> memref<640x128xf32, #tpu.memory_space<vmem_shared>>
      tpu.enqueue_dma source(%dma_start3A_26 : memref<640x128xf32, #tpu.memory_space<vmem_shared>>) target(%dma_start3A_24 : memref<640x128xf32, #tpu.memory_space<hbm>>) target_semaphore(%run_scoped3A : memref<!tpu.dma_semaphore, #tpu.memory_space<semaphore_mem>>)
      %dma_wait3A = arith.constant 0 : i32
      %dma_wait3A_27 = arith.constant 0 : i32
      %dma_wait3A_28 = tpu.memref_slice %arg5[%arg0, %dma_wait3A, %dma_wait3A_27] : memref<2x10240x128xf32, #tpu.memory_space<hbm>> -> memref<1x10240x128xf32, #tpu.memory_space<hbm>>
      %dma_wait3A_29 = tpu.memref_squeeze %dma_wait3A_28 : memref<1x10240x128xf32, #tpu.memory_space<hbm>> -> memref<10240x128xf32, #tpu.memory_space<hbm>>
      %dma_wait3A_30 = arith.constant 0 : i32
      %dma_wait3A_31 = tpu.memref_slice %dma_wait3A_29[%mul3A_19, %dma_wait3A_30] : memref<10240x128xf32, #tpu.memory_space<hbm>> -> memref<640x128xf32, #tpu.memory_space<hbm>>
      %dma_wait3A_32 = arith.constant 0 : i32
      %dma_wait3A_33 = tpu.memref_slice %arg10[%mul3A_17, %dma_wait3A_32] : memref<10240x128xf32, #tpu.memory_space<vmem_shared>> -> memref<640x128xf32, #tpu.memory_space<vmem_shared>>
      tpu.wait_dma2 semaphore(%run_scoped3A : memref<!tpu.dma_semaphore, #tpu.memory_space<semaphore_mem>>) src(%dma_wait3A_33 : memref<640x128xf32, #tpu.memory_space<vmem_shared>>) dst(%dma_wait3A_31 : memref<640x128xf32, #tpu.memory_space<hbm>>)
      tpu.yield
    }) : () -> ()
    return
  }
}

#map = affine_map<(d0, d1) -> (0, 0)>
#map1 = affine_map<(d0, d1) -> (0, 0, 0)>
module attributes {stable_mosaic.version = 14 : i64} {
  func.func @_sc_agg(%arg0: i32, %arg1: i32, %arg2: memref<10240x128xf32, #tpu.memory_space<hbm>>, %arg3: memref<32x79x128xi32, #tpu.memory_space<hbm>>, %arg4: memref<32x79x128xi32, #tpu.memory_space<hbm>>, %arg5: memref<2x10240x128xf32, #tpu.memory_space<hbm>>, %arg6: memref<79x128xi32, #tpu.memory_space<vmem>>, %arg7: memref<79x128xi32, #tpu.memory_space<vmem>>, %arg8: memref<128x128xf32, #tpu.memory_space<vmem>>, %arg9: memref<64x128xf32, #tpu.memory_space<vmem>>, %arg10: memref<10240x128xf32, #tpu.memory_space<vmem_shared>>, %arg11: memref<!tpu.dma_semaphore, #tpu.memory_space<semaphore_mem>>) attributes {dimension_semantics = [#tpu.dimension_semantics<core_parallel>, #tpu.dimension_semantics<subcore_parallel>], iteration_bounds = array<i64: 2, 16>, scalar_prefetch = 0 : i64, scratch_operands = 6 : i64, tpu.core_type = #tpu.core_type<sc_vector_subcore>, window_params = [{transform_indices = #map}, {transform_indices = #map1}, {transform_indices = #map1}, {transform_indices = #map1}]} {
    %mul3A = arith.constant 2 : i32
    %mul3A_0 = arith.muli %arg1, %mul3A : i32
    %add3A = arith.addi %mul3A_0, %arg0 : i32
    %scan3A = arith.constant 0 : i32
    %scan3A_1 = arith.constant 64 : i32
    %scan3A_2 = arith.addi %scan3A, %scan3A_1 : i32
    %scan3A_3 = arith.constant 1 : i32
    scf.for %scan3A_20 = %scan3A to %scan3A_2 step %scan3A_3  : i32 {
      %mul3A_21 = arith.constant 1 : i32
      %mul3A_22 = arith.muli %scan3A_20, %mul3A_21 : i32
      %add3A_23 = arith.constant 0 : i32
      %add3A_24 = arith.addi %add3A_23, %mul3A_22 : i32
      %scan3A_25 = arith.constant 0 : i32
      %scan3A_26 = arith.constant 8 : i32
      %scan3A_27 = arith.addi %scan3A_25, %scan3A_26 : i32
      %scan3A_28 = arith.constant 1 : i32
      scf.for %scan3A_30 = %scan3A_25 to %scan3A_27 step %scan3A_28  : i32 {
        %mul3A_31 = arith.constant 16 : i32
        %mul3A_32 = arith.muli %scan3A_30, %mul3A_31 : i32
        %add3A_33 = arith.constant 0 : i32
        %add3A_34 = arith.addi %add3A_33, %mul3A_32 : i32
        %broadcast_in_dim3A = arith.constant 0.000000e+00 : f32
        %broadcast_in_dim3A_35 = vector.broadcast %broadcast_in_dim3A : f32 to vector<16xf32>
        %swap3A = arith.index_cast %add3A_24 : i32 to index
        %swap3A_36 = arith.index_cast %add3A_34 : i32 to index
        %swap3A_37 = tpu.vector_load %arg9[%swap3A, %swap3A_36] {strides = array<i32>} : memref<64x128xf32, #tpu.memory_space<vmem>>, vector<1x16xf32>,
        %swap3A_38 = vector.shape_cast %swap3A_37 : vector<1x16xf32> to vector<16xf32>
        %swap3A_39 = vector.shape_cast %broadcast_in_dim3A_35 : vector<16xf32> to vector<1x16xf32>
        tpu.vector_store %arg9[%swap3A, %swap3A_36], %swap3A_39 {strides = array<i32>} : memref<64x128xf32, #tpu.memory_space<vmem>>, vector<1x16xf32>,
      }
      %scan3A_29 = arith.constant 8 : i32
    }
    %scan3A_4 = arith.constant 64 : i32
    %scan3A_5 = arith.constant 0 : i32
    %scan3A_6 = arith.constant 10 : i32
    %scan3A_7 = arith.addi %scan3A_5, %scan3A_6 : i32
    %scan3A_8 = arith.constant 1 : i32
    scf.for %scan3A_20 = %scan3A_5 to %scan3A_7 step %scan3A_8  : i32 {
      %mul3A_21 = arith.constant 64 : i32
      %mul3A_22 = arith.muli %scan3A_20, %mul3A_21 : i32
      %add3A_23 = arith.constant 0 : i32
      %add3A_24 = arith.addi %add3A_23, %mul3A_22 : i32
      %mul3A_25 = arith.constant 640 : i32
      %mul3A_26 = arith.muli %arg1, %mul3A_25 : i32
      %add3A_27 = arith.addi %mul3A_26, %add3A_24 : i32
      "tpu.region"() ({
        %run_scoped3A = tpu.sem_alloc : memref<!tpu.dma_semaphore, #tpu.memory_space<semaphore_mem>>
        %dma_start3A = arith.constant 0 : i32
        %dma_start3A_28 = tpu.memref_slice %arg10[%add3A_27, %dma_start3A] : memref<10240x128xf32, #tpu.memory_space<vmem_shared>> -> memref<64x128xf32, #tpu.memory_space<vmem_shared>>
        %dma_start3A_29 = arith.constant 0 : i32
        %dma_start3A_30 = tpu.memref_slice %arg10[%add3A_27, %dma_start3A_29] : memref<10240x128xf32, #tpu.memory_space<vmem_shared>> -> memref<64x128xf32, #tpu.memory_space<vmem_shared>>
        tpu.enqueue_dma source(%arg9 : memref<64x128xf32, #tpu.memory_space<vmem>>) target(%dma_start3A_30 : memref<64x128xf32, #tpu.memory_space<vmem_shared>>) target_semaphore(%run_scoped3A : memref<!tpu.dma_semaphore, #tpu.memory_space<semaphore_mem>>)
        %dma_wait3A = arith.constant 0 : i32
        %dma_wait3A_31 = tpu.memref_slice %arg10[%add3A_27, %dma_wait3A] : memref<10240x128xf32, #tpu.memory_space<vmem_shared>> -> memref<64x128xf32, #tpu.memory_space<vmem_shared>>
        %dma_wait3A_32 = arith.constant 0 : i32
        %dma_wait3A_33 = tpu.memref_slice %arg10[%add3A_27, %dma_wait3A_32] : memref<10240x128xf32, #tpu.memory_space<vmem_shared>> -> memref<64x128xf32, #tpu.memory_space<vmem_shared>>
        tpu.wait_dma2 semaphore(%run_scoped3A : memref<!tpu.dma_semaphore, #tpu.memory_space<semaphore_mem>>) src(%arg9 : memref<64x128xf32, #tpu.memory_space<vmem>>) dst(%dma_wait3A_33 : memref<64x128xf32, #tpu.memory_space<vmem_shared>>)
        tpu.yield
      }) : () -> ()
    }
    %scan3A_9 = arith.constant 10 : i32
    %barrier3A = arith.constant 0 : index
    tpu.barrier barrier_id(%barrier3A)
    "tpu.region"() ({
      %run_scoped3A = tpu.sem_alloc : memref<!tpu.dma_semaphore, #tpu.memory_space<semaphore_mem>>
      %dma_start3A = arith.constant 0 : i32
      %dma_start3A_20 = arith.constant 0 : i32
      %dma_start3A_21 = tpu.memref_slice %arg3[%add3A, %dma_start3A, %dma_start3A_20] : memref<32x79x128xi32, #tpu.memory_space<hbm>> -> memref<1x79x128xi32, #tpu.memory_space<hbm>>
      %dma_start3A_22 = tpu.memref_squeeze %dma_start3A_21 : memref<1x79x128xi32, #tpu.memory_space<hbm>> -> memref<79x128xi32, #tpu.memory_space<hbm>>
      %dma_start3A_23 = arith.constant 0 : i32
      %dma_start3A_24 = arith.constant 0 : i32
      %dma_start3A_25 = tpu.memref_slice %arg3[%add3A, %dma_start3A_23, %dma_start3A_24] : memref<32x79x128xi32, #tpu.memory_space<hbm>> -> memref<1x79x128xi32, #tpu.memory_space<hbm>>
      %dma_start3A_26 = tpu.memref_squeeze %dma_start3A_25 : memref<1x79x128xi32, #tpu.memory_space<hbm>> -> memref<79x128xi32, #tpu.memory_space<hbm>>
      tpu.enqueue_dma source(%dma_start3A_26 : memref<79x128xi32, #tpu.memory_space<hbm>>) target(%arg6 : memref<79x128xi32, #tpu.memory_space<vmem>>) target_semaphore(%run_scoped3A : memref<!tpu.dma_semaphore, #tpu.memory_space<semaphore_mem>>)
      %dma_wait3A = arith.constant 0 : i32
      %dma_wait3A_27 = arith.constant 0 : i32
      %dma_wait3A_28 = tpu.memref_slice %arg3[%add3A, %dma_wait3A, %dma_wait3A_27] : memref<32x79x128xi32, #tpu.memory_space<hbm>> -> memref<1x79x128xi32, #tpu.memory_space<hbm>>
      %dma_wait3A_29 = tpu.memref_squeeze %dma_wait3A_28 : memref<1x79x128xi32, #tpu.memory_space<hbm>> -> memref<79x128xi32, #tpu.memory_space<hbm>>
      %dma_wait3A_30 = arith.constant 0 : i32
      %dma_wait3A_31 = arith.constant 0 : i32
      %dma_wait3A_32 = tpu.memref_slice %arg3[%add3A, %dma_wait3A_30, %dma_wait3A_31] : memref<32x79x128xi32, #tpu.memory_space<hbm>> -> memref<1x79x128xi32, #tpu.memory_space<hbm>>
      %dma_wait3A_33 = tpu.memref_squeeze %dma_wait3A_32 : memref<1x79x128xi32, #tpu.memory_space<hbm>> -> memref<79x128xi32, #tpu.memory_space<hbm>>
      tpu.wait_dma2 semaphore(%run_scoped3A : memref<!tpu.dma_semaphore, #tpu.memory_space<semaphore_mem>>) src(%dma_wait3A_33 : memref<79x128xi32, #tpu.memory_space<hbm>>) dst(%arg6 : memref<79x128xi32, #tpu.memory_space<vmem>>)
      tpu.yield
    }) : () -> ()
    "tpu.region"() ({
      %run_scoped3A = tpu.sem_alloc : memref<!tpu.dma_semaphore, #tpu.memory_space<semaphore_mem>>
      %dma_start3A = arith.constant 0 : i32
      %dma_start3A_20 = arith.constant 0 : i32
      %dma_start3A_21 = tpu.memref_slice %arg4[%add3A, %dma_start3A, %dma_start3A_20] : memref<32x79x128xi32, #tpu.memory_space<hbm>> -> memref<1x79x128xi32, #tpu.memory_space<hbm>>
      %dma_start3A_22 = tpu.memref_squeeze %dma_start3A_21 : memref<1x79x128xi32, #tpu.memory_space<hbm>> -> memref<79x128xi32, #tpu.memory_space<hbm>>
      %dma_start3A_23 = arith.constant 0 : i32
      %dma_start3A_24 = arith.constant 0 : i32
      %dma_start3A_25 = tpu.memref_slice %arg4[%add3A, %dma_start3A_23, %dma_start3A_24] : memref<32x79x128xi32, #tpu.memory_space<hbm>> -> memref<1x79x128xi32, #tpu.memory_space<hbm>>
      %dma_start3A_26 = tpu.memref_squeeze %dma_start3A_25 : memref<1x79x128xi32, #tpu.memory_space<hbm>> -> memref<79x128xi32, #tpu.memory_space<hbm>>
      tpu.enqueue_dma source(%dma_start3A_26 : memref<79x128xi32, #tpu.memory_space<hbm>>) target(%arg7 : memref<79x128xi32, #tpu.memory_space<vmem>>) target_semaphore(%run_scoped3A : memref<!tpu.dma_semaphore, #tpu.memory_space<semaphore_mem>>)
      %dma_wait3A = arith.constant 0 : i32
      %dma_wait3A_27 = arith.constant 0 : i32
      %dma_wait3A_28 = tpu.memref_slice %arg4[%add3A, %dma_wait3A, %dma_wait3A_27] : memref<32x79x128xi32, #tpu.memory_space<hbm>> -> memref<1x79x128xi32, #tpu.memory_space<hbm>>
      %dma_wait3A_29 = tpu.memref_squeeze %dma_wait3A_28 : memref<1x79x128xi32, #tpu.memory_space<hbm>> -> memref<79x128xi32, #tpu.memory_space<hbm>>
      %dma_wait3A_30 = arith.constant 0 : i32
      %dma_wait3A_31 = arith.constant 0 : i32
      %dma_wait3A_32 = tpu.memref_slice %arg4[%add3A, %dma_wait3A_30, %dma_wait3A_31] : memref<32x79x128xi32, #tpu.memory_space<hbm>> -> memref<1x79x128xi32, #tpu.memory_space<hbm>>
      %dma_wait3A_33 = tpu.memref_squeeze %dma_wait3A_32 : memref<1x79x128xi32, #tpu.memory_space<hbm>> -> memref<79x128xi32, #tpu.memory_space<hbm>>
      tpu.wait_dma2 semaphore(%run_scoped3A : memref<!tpu.dma_semaphore, #tpu.memory_space<semaphore_mem>>) src(%dma_wait3A_33 : memref<79x128xi32, #tpu.memory_space<hbm>>) dst(%arg7 : memref<79x128xi32, #tpu.memory_space<vmem>>)
      tpu.yield
    }) : () -> ()
    %scan3A_10 = arith.constant 0 : i32
    %scan3A_11 = arith.constant 79 : i32
    %scan3A_12 = arith.addi %scan3A_10, %scan3A_11 : i32
    %scan3A_13 = arith.constant 1 : i32
    scf.for %scan3A_20 = %scan3A_10 to %scan3A_12 step %scan3A_13  : i32 {
      %mul3A_21 = arith.constant 1 : i32
      %mul3A_22 = arith.muli %scan3A_20, %mul3A_21 : i32
      %add3A_23 = arith.constant 0 : i32
      %add3A_24 = arith.addi %add3A_23, %mul3A_22 : i32
      %dma_start3A = arith.constant 0 : i32
      %dma_start3A_25 = tpu.memref_slice %arg6[%add3A_24, %dma_start3A] : memref<79x128xi32, #tpu.memory_space<vmem>> -> memref<1x128xi32, #tpu.memory_space<vmem>>
      %dma_start3A_26 = tpu.memref_squeeze %dma_start3A_25 : memref<1x128xi32, #tpu.memory_space<vmem>> -> memref<128xi32, #tpu.memory_space<vmem>>
      %dma_start3A_27 = arith.constant 0 : i32
      %dma_start3A_28 = arith.constant 0 : i32
      %dma_start3A_29 = tpu.memref_slice %arg2[%dma_start3A_27, %dma_start3A_28] : memref<10240x128xf32, #tpu.memory_space<hbm>> -> memref<10240x128xf32, #tpu.memory_space<hbm>>
      tpu.enqueue_indirect_dma source(%dma_start3A_29 : memref<10240x128xf32, #tpu.memory_space<hbm>>) target(%arg8 : memref<128x128xf32, #tpu.memory_space<vmem>>) offsets(%dma_start3A_26 : memref<128xi32, #tpu.memory_space<vmem>>) semaphore(%arg11 : memref<!tpu.dma_semaphore, #tpu.memory_space<semaphore_mem>>)
      %dma_wait3A = arith.constant 0 : i32
      %dma_wait3A_30 = tpu.memref_slice %arg6[%add3A_24, %dma_wait3A] : memref<79x128xi32, #tpu.memory_space<vmem>> -> memref<1x128xi32, #tpu.memory_space<vmem>>
      %dma_wait3A_31 = tpu.memref_squeeze %dma_wait3A_30 : memref<1x128xi32, #tpu.memory_space<vmem>> -> memref<128xi32, #tpu.memory_space<vmem>>
      %dma_wait3A_32 = arith.constant 0 : i32
      %dma_wait3A_33 = arith.constant 0 : i32
      %dma_wait3A_34 = tpu.memref_slice %arg2[%dma_wait3A_32, %dma_wait3A_33] : memref<10240x128xf32, #tpu.memory_space<hbm>> -> memref<10240x128xf32, #tpu.memory_space<hbm>>
      tpu.wait_indirect_dma semaphore(%arg11 : memref<!tpu.dma_semaphore, #tpu.memory_space<semaphore_mem>>) src(%dma_wait3A_34 : memref<10240x128xf32, #tpu.memory_space<hbm>>) dst(%arg8 : memref<128x128xf32, #tpu.memory_space<vmem>>)
      "tpu.region"() ({
        %run_scoped3A = tpu.sem_alloc : memref<!tpu.dma_semaphore, #tpu.memory_space<semaphore_mem>>
        %dma_start3A_35 = arith.constant 0 : i32
        %dma_start3A_36 = tpu.memref_slice %arg7[%add3A_24, %dma_start3A_35] : memref<79x128xi32, #tpu.memory_space<vmem>> -> memref<1x128xi32, #tpu.memory_space<vmem>>
        %dma_start3A_37 = tpu.memref_squeeze %dma_start3A_36 : memref<1x128xi32, #tpu.memory_space<vmem>> -> memref<128xi32, #tpu.memory_space<vmem>>
        %dma_start3A_38 = arith.constant 0 : i32
        %dma_start3A_39 = arith.constant 0 : i32
        %dma_start3A_40 = tpu.memref_slice %arg10[%dma_start3A_38, %dma_start3A_39] : memref<10240x128xf32, #tpu.memory_space<vmem_shared>> -> memref<10240x128xf32, #tpu.memory_space<vmem_shared>>
        tpu.enqueue_indirect_dma source(%arg8 : memref<128x128xf32, #tpu.memory_space<vmem>>) target(%dma_start3A_40 : memref<10240x128xf32, #tpu.memory_space<vmem_shared>>) offsets(%dma_start3A_37 : memref<128xi32, #tpu.memory_space<vmem>>) semaphore(%run_scoped3A : memref<!tpu.dma_semaphore, #tpu.memory_space<semaphore_mem>>) {add = true}
        %dma_wait3A_41 = arith.constant 0 : i32
        %dma_wait3A_42 = tpu.memref_slice %arg7[%add3A_24, %dma_wait3A_41] : memref<79x128xi32, #tpu.memory_space<vmem>> -> memref<1x128xi32, #tpu.memory_space<vmem>>
        %dma_wait3A_43 = tpu.memref_squeeze %dma_wait3A_42 : memref<1x128xi32, #tpu.memory_space<vmem>> -> memref<128xi32, #tpu.memory_space<vmem>>
        %dma_wait3A_44 = arith.constant 0 : i32
        %dma_wait3A_45 = arith.constant 0 : i32
        %dma_wait3A_46 = tpu.memref_slice %arg10[%dma_wait3A_44, %dma_wait3A_45] : memref<10240x128xf32, #tpu.memory_space<vmem_shared>> -> memref<10240x128xf32, #tpu.memory_space<vmem_shared>>
        tpu.wait_indirect_dma semaphore(%run_scoped3A : memref<!tpu.dma_semaphore, #tpu.memory_space<semaphore_mem>>) src(%arg8 : memref<128x128xf32, #tpu.memory_space<vmem>>) dst(%dma_wait3A_46 : memref<10240x128xf32, #tpu.memory_space<vmem_shared>>)
        tpu.yield
      }) : () -> ()
    }
    %scan3A_14 = arith.constant 79 : i32
    %barrier3A_15 = arith.constant 0 : index
    tpu.barrier barrier_id(%barrier3A_15)
    %mul3A_16 = arith.constant 640 : i32
    %mul3A_17 = arith.muli %arg1, %mul3A_16 : i32
    %mul3A_18 = arith.constant 640 : i32
    %mul3A_19 = arith.muli %arg1, %mul3A_18 : i32
    "tpu.region"() ({
      %run_scoped3A = tpu.sem_alloc : memref<!tpu.dma_semaphore, #tpu.memory_space<semaphore_mem>>
      %dma_start3A = arith.constant 0 : i32
      %dma_start3A_20 = arith.constant 0 : i32
      %dma_start3A_21 = tpu.memref_slice %arg5[%arg0, %dma_start3A, %dma_start3A_20] : memref<2x10240x128xf32, #tpu.memory_space<hbm>> -> memref<1x10240x128xf32, #tpu.memory_space<hbm>>
      %dma_start3A_22 = tpu.memref_squeeze %dma_start3A_21 : memref<1x10240x128xf32, #tpu.memory_space<hbm>> -> memref<10240x128xf32, #tpu.memory_space<hbm>>
      %dma_start3A_23 = arith.constant 0 : i32
      %dma_start3A_24 = tpu.memref_slice %dma_start3A_22[%mul3A_19, %dma_start3A_23] : memref<10240x128xf32, #tpu.memory_space<hbm>> -> memref<640x128xf32, #tpu.memory_space<hbm>>
      %dma_start3A_25 = arith.constant 0 : i32
      %dma_start3A_26 = tpu.memref_slice %arg10[%mul3A_17, %dma_start3A_25] : memref<10240x128xf32, #tpu.memory_space<vmem_shared>> -> memref<640x128xf32, #tpu.memory_space<vmem_shared>>
      tpu.enqueue_dma source(%dma_start3A_26 : memref<640x128xf32, #tpu.memory_space<vmem_shared>>) target(%dma_start3A_24 : memref<640x128xf32, #tpu.memory_space<hbm>>) target_semaphore(%run_scoped3A : memref<!tpu.dma_semaphore, #tpu.memory_space<semaphore_mem>>)
      %dma_wait3A = arith.constant 0 : i32
      %dma_wait3A_27 = arith.constant 0 : i32
      %dma_wait3A_28 = tpu.memref_slice %arg5[%arg0, %dma_wait3A, %dma_wait3A_27] : memref<2x10240x128xf32, #tpu.memory_space<hbm>> -> memref<1x10240x128xf32, #tpu.memory_space<hbm>>
      %dma_wait3A_29 = tpu.memref_squeeze %dma_wait3A_28 : memref<1x10240x128xf32, #tpu.memory_space<hbm>> -> memref<10240x128xf32, #tpu.memory_space<hbm>>
      %dma_wait3A_30 = arith.constant 0 : i32
      %dma_wait3A_31 = tpu.memref_slice %dma_wait3A_29[%mul3A_19, %dma_wait3A_30] : memref<10240x128xf32, #tpu.memory_space<hbm>> -> memref<640x128xf32, #tpu.memory_space<hbm>>
      %dma_wait3A_32 = arith.constant 0 : i32
      %dma_wait3A_33 = tpu.memref_slice %arg10[%mul3A_17, %dma_wait3A_32] : memref<10240x128xf32, #tpu.memory_space<vmem_shared>> -> memref<640x128xf32, #tpu.memory_space<vmem_shared>>
      tpu.wait_dma2 semaphore(%run_scoped3A : memref<!tpu.dma_semaphore, #tpu.memory_space<semaphore_mem>>) src(%dma_wait3A_33 : memref<640x128xf32, #tpu.memory_space<vmem_shared>>) dst(%dma_wait3A_31 : memref<640x128xf32, #tpu.memory_space<hbm>>)
      tpu.yield
    }) : () -> ()
    return
  }
}

#map = affine_map<(d0, d1) -> (0, 0)>
#map1 = affine_map<(d0, d1) -> (0, 0, 0)>
module attributes {stable_mosaic.version = 14 : i64} {
  func.func @_sc_agg(%arg0: i32, %arg1: i32, %arg2: memref<10240x128xf32, #tpu.memory_space<hbm>>, %arg3: memref<32x79x128xi32, #tpu.memory_space<hbm>>, %arg4: memref<32x79x128xi32, #tpu.memory_space<hbm>>, %arg5: memref<2x10240x128xf32, #tpu.memory_space<hbm>>, %arg6: memref<79x128xi32, #tpu.memory_space<vmem>>, %arg7: memref<79x128xi32, #tpu.memory_space<vmem>>, %arg8: memref<128x128xf32, #tpu.memory_space<vmem>>, %arg9: memref<64x128xf32, #tpu.memory_space<vmem>>, %arg10: memref<10240x128xf32, #tpu.memory_space<vmem_shared>>, %arg11: memref<!tpu.dma_semaphore, #tpu.memory_space<semaphore_mem>>) attributes {dimension_semantics = [#tpu.dimension_semantics<core_parallel>, #tpu.dimension_semantics<subcore_parallel>], iteration_bounds = array<i64: 2, 16>, scalar_prefetch = 0 : i64, scratch_operands = 6 : i64, tpu.core_type = #tpu.core_type<sc_vector_subcore>, window_params = [{transform_indices = #map}, {transform_indices = #map1}, {transform_indices = #map1}, {transform_indices = #map1}]} {
    %mul3A = arith.constant 2 : i32
    %mul3A_0 = arith.muli %arg1, %mul3A : i32
    %add3A = arith.addi %mul3A_0, %arg0 : i32
    %scan3A = arith.constant 0 : i32
    %scan3A_1 = arith.constant 64 : i32
    %scan3A_2 = arith.addi %scan3A, %scan3A_1 : i32
    %scan3A_3 = arith.constant 1 : i32
    scf.for %scan3A_20 = %scan3A to %scan3A_2 step %scan3A_3  : i32 {
      %mul3A_21 = arith.constant 1 : i32
      %mul3A_22 = arith.muli %scan3A_20, %mul3A_21 : i32
      %add3A_23 = arith.constant 0 : i32
      %add3A_24 = arith.addi %add3A_23, %mul3A_22 : i32
      %scan3A_25 = arith.constant 0 : i32
      %scan3A_26 = arith.constant 8 : i32
      %scan3A_27 = arith.addi %scan3A_25, %scan3A_26 : i32
      %scan3A_28 = arith.constant 1 : i32
      scf.for %scan3A_30 = %scan3A_25 to %scan3A_27 step %scan3A_28  : i32 {
        %mul3A_31 = arith.constant 16 : i32
        %mul3A_32 = arith.muli %scan3A_30, %mul3A_31 : i32
        %add3A_33 = arith.constant 0 : i32
        %add3A_34 = arith.addi %add3A_33, %mul3A_32 : i32
        %broadcast_in_dim3A = arith.constant 0.000000e+00 : f32
        %broadcast_in_dim3A_35 = vector.broadcast %broadcast_in_dim3A : f32 to vector<16xf32>
        %swap3A = arith.index_cast %add3A_24 : i32 to index
        %swap3A_36 = arith.index_cast %add3A_34 : i32 to index
        %swap3A_37 = tpu.vector_load %arg9[%swap3A, %swap3A_36] {strides = array<i32>} : memref<64x128xf32, #tpu.memory_space<vmem>>, vector<1x16xf32>,
        %swap3A_38 = vector.shape_cast %swap3A_37 : vector<1x16xf32> to vector<16xf32>
        %swap3A_39 = vector.shape_cast %broadcast_in_dim3A_35 : vector<16xf32> to vector<1x16xf32>
        tpu.vector_store %arg9[%swap3A, %swap3A_36], %swap3A_39 {strides = array<i32>} : memref<64x128xf32, #tpu.memory_space<vmem>>, vector<1x16xf32>,
      }
      %scan3A_29 = arith.constant 8 : i32
    }
    %scan3A_4 = arith.constant 64 : i32
    %scan3A_5 = arith.constant 0 : i32
    %scan3A_6 = arith.constant 10 : i32
    %scan3A_7 = arith.addi %scan3A_5, %scan3A_6 : i32
    %scan3A_8 = arith.constant 1 : i32
    scf.for %scan3A_20 = %scan3A_5 to %scan3A_7 step %scan3A_8  : i32 {
      %mul3A_21 = arith.constant 64 : i32
      %mul3A_22 = arith.muli %scan3A_20, %mul3A_21 : i32
      %add3A_23 = arith.constant 0 : i32
      %add3A_24 = arith.addi %add3A_23, %mul3A_22 : i32
      %mul3A_25 = arith.constant 640 : i32
      %mul3A_26 = arith.muli %arg1, %mul3A_25 : i32
      %add3A_27 = arith.addi %mul3A_26, %add3A_24 : i32
      "tpu.region"() ({
        %run_scoped3A = tpu.sem_alloc : memref<!tpu.dma_semaphore, #tpu.memory_space<semaphore_mem>>
        %dma_start3A = arith.constant 0 : i32
        %dma_start3A_28 = tpu.memref_slice %arg10[%add3A_27, %dma_start3A] : memref<10240x128xf32, #tpu.memory_space<vmem_shared>> -> memref<64x128xf32, #tpu.memory_space<vmem_shared>>
        %dma_start3A_29 = arith.constant 0 : i32
        %dma_start3A_30 = tpu.memref_slice %arg10[%add3A_27, %dma_start3A_29] : memref<10240x128xf32, #tpu.memory_space<vmem_shared>> -> memref<64x128xf32, #tpu.memory_space<vmem_shared>>
        tpu.enqueue_dma source(%arg9 : memref<64x128xf32, #tpu.memory_space<vmem>>) target(%dma_start3A_30 : memref<64x128xf32, #tpu.memory_space<vmem_shared>>) target_semaphore(%run_scoped3A : memref<!tpu.dma_semaphore, #tpu.memory_space<semaphore_mem>>)
        %dma_wait3A = arith.constant 0 : i32
        %dma_wait3A_31 = tpu.memref_slice %arg10[%add3A_27, %dma_wait3A] : memref<10240x128xf32, #tpu.memory_space<vmem_shared>> -> memref<64x128xf32, #tpu.memory_space<vmem_shared>>
        %dma_wait3A_32 = arith.constant 0 : i32
        %dma_wait3A_33 = tpu.memref_slice %arg10[%add3A_27, %dma_wait3A_32] : memref<10240x128xf32, #tpu.memory_space<vmem_shared>> -> memref<64x128xf32, #tpu.memory_space<vmem_shared>>
        tpu.wait_dma2 semaphore(%run_scoped3A : memref<!tpu.dma_semaphore, #tpu.memory_space<semaphore_mem>>) src(%arg9 : memref<64x128xf32, #tpu.memory_space<vmem>>) dst(%dma_wait3A_33 : memref<64x128xf32, #tpu.memory_space<vmem_shared>>)
        tpu.yield
      }) : () -> ()
    }
    %scan3A_9 = arith.constant 10 : i32
    %barrier3A = arith.constant 0 : index
    tpu.barrier barrier_id(%barrier3A)
    "tpu.region"() ({
      %run_scoped3A = tpu.sem_alloc : memref<!tpu.dma_semaphore, #tpu.memory_space<semaphore_mem>>
      %dma_start3A = arith.constant 0 : i32
      %dma_start3A_20 = arith.constant 0 : i32
      %dma_start3A_21 = tpu.memref_slice %arg3[%add3A, %dma_start3A, %dma_start3A_20] : memref<32x79x128xi32, #tpu.memory_space<hbm>> -> memref<1x79x128xi32, #tpu.memory_space<hbm>>
      %dma_start3A_22 = tpu.memref_squeeze %dma_start3A_21 : memref<1x79x128xi32, #tpu.memory_space<hbm>> -> memref<79x128xi32, #tpu.memory_space<hbm>>
      %dma_start3A_23 = arith.constant 0 : i32
      %dma_start3A_24 = arith.constant 0 : i32
      %dma_start3A_25 = tpu.memref_slice %arg3[%add3A, %dma_start3A_23, %dma_start3A_24] : memref<32x79x128xi32, #tpu.memory_space<hbm>> -> memref<1x79x128xi32, #tpu.memory_space<hbm>>
      %dma_start3A_26 = tpu.memref_squeeze %dma_start3A_25 : memref<1x79x128xi32, #tpu.memory_space<hbm>> -> memref<79x128xi32, #tpu.memory_space<hbm>>
      tpu.enqueue_dma source(%dma_start3A_26 : memref<79x128xi32, #tpu.memory_space<hbm>>) target(%arg6 : memref<79x128xi32, #tpu.memory_space<vmem>>) target_semaphore(%run_scoped3A : memref<!tpu.dma_semaphore, #tpu.memory_space<semaphore_mem>>)
      %dma_wait3A = arith.constant 0 : i32
      %dma_wait3A_27 = arith.constant 0 : i32
      %dma_wait3A_28 = tpu.memref_slice %arg3[%add3A, %dma_wait3A, %dma_wait3A_27] : memref<32x79x128xi32, #tpu.memory_space<hbm>> -> memref<1x79x128xi32, #tpu.memory_space<hbm>>
      %dma_wait3A_29 = tpu.memref_squeeze %dma_wait3A_28 : memref<1x79x128xi32, #tpu.memory_space<hbm>> -> memref<79x128xi32, #tpu.memory_space<hbm>>
      %dma_wait3A_30 = arith.constant 0 : i32
      %dma_wait3A_31 = arith.constant 0 : i32
      %dma_wait3A_32 = tpu.memref_slice %arg3[%add3A, %dma_wait3A_30, %dma_wait3A_31] : memref<32x79x128xi32, #tpu.memory_space<hbm>> -> memref<1x79x128xi32, #tpu.memory_space<hbm>>
      %dma_wait3A_33 = tpu.memref_squeeze %dma_wait3A_32 : memref<1x79x128xi32, #tpu.memory_space<hbm>> -> memref<79x128xi32, #tpu.memory_space<hbm>>
      tpu.wait_dma2 semaphore(%run_scoped3A : memref<!tpu.dma_semaphore, #tpu.memory_space<semaphore_mem>>) src(%dma_wait3A_33 : memref<79x128xi32, #tpu.memory_space<hbm>>) dst(%arg6 : memref<79x128xi32, #tpu.memory_space<vmem>>)
      tpu.yield
    }) : () -> ()
    "tpu.region"() ({
      %run_scoped3A = tpu.sem_alloc : memref<!tpu.dma_semaphore, #tpu.memory_space<semaphore_mem>>
      %dma_start3A = arith.constant 0 : i32
      %dma_start3A_20 = arith.constant 0 : i32
      %dma_start3A_21 = tpu.memref_slice %arg4[%add3A, %dma_start3A, %dma_start3A_20] : memref<32x79x128xi32, #tpu.memory_space<hbm>> -> memref<1x79x128xi32, #tpu.memory_space<hbm>>
      %dma_start3A_22 = tpu.memref_squeeze %dma_start3A_21 : memref<1x79x128xi32, #tpu.memory_space<hbm>> -> memref<79x128xi32, #tpu.memory_space<hbm>>
      %dma_start3A_23 = arith.constant 0 : i32
      %dma_start3A_24 = arith.constant 0 : i32
      %dma_start3A_25 = tpu.memref_slice %arg4[%add3A, %dma_start3A_23, %dma_start3A_24] : memref<32x79x128xi32, #tpu.memory_space<hbm>> -> memref<1x79x128xi32, #tpu.memory_space<hbm>>
      %dma_start3A_26 = tpu.memref_squeeze %dma_start3A_25 : memref<1x79x128xi32, #tpu.memory_space<hbm>> -> memref<79x128xi32, #tpu.memory_space<hbm>>
      tpu.enqueue_dma source(%dma_start3A_26 : memref<79x128xi32, #tpu.memory_space<hbm>>) target(%arg7 : memref<79x128xi32, #tpu.memory_space<vmem>>) target_semaphore(%run_scoped3A : memref<!tpu.dma_semaphore, #tpu.memory_space<semaphore_mem>>)
      %dma_wait3A = arith.constant 0 : i32
      %dma_wait3A_27 = arith.constant 0 : i32
      %dma_wait3A_28 = tpu.memref_slice %arg4[%add3A, %dma_wait3A, %dma_wait3A_27] : memref<32x79x128xi32, #tpu.memory_space<hbm>> -> memref<1x79x128xi32, #tpu.memory_space<hbm>>
      %dma_wait3A_29 = tpu.memref_squeeze %dma_wait3A_28 : memref<1x79x128xi32, #tpu.memory_space<hbm>> -> memref<79x128xi32, #tpu.memory_space<hbm>>
      %dma_wait3A_30 = arith.constant 0 : i32
      %dma_wait3A_31 = arith.constant 0 : i32
      %dma_wait3A_32 = tpu.memref_slice %arg4[%add3A, %dma_wait3A_30, %dma_wait3A_31] : memref<32x79x128xi32, #tpu.memory_space<hbm>> -> memref<1x79x128xi32, #tpu.memory_space<hbm>>
      %dma_wait3A_33 = tpu.memref_squeeze %dma_wait3A_32 : memref<1x79x128xi32, #tpu.memory_space<hbm>> -> memref<79x128xi32, #tpu.memory_space<hbm>>
      tpu.wait_dma2 semaphore(%run_scoped3A : memref<!tpu.dma_semaphore, #tpu.memory_space<semaphore_mem>>) src(%dma_wait3A_33 : memref<79x128xi32, #tpu.memory_space<hbm>>) dst(%arg7 : memref<79x128xi32, #tpu.memory_space<vmem>>)
      tpu.yield
    }) : () -> ()
    %scan3A_10 = arith.constant 0 : i32
    %scan3A_11 = arith.constant 79 : i32
    %scan3A_12 = arith.addi %scan3A_10, %scan3A_11 : i32
    %scan3A_13 = arith.constant 1 : i32
    scf.for %scan3A_20 = %scan3A_10 to %scan3A_12 step %scan3A_13  : i32 {
      %mul3A_21 = arith.constant 1 : i32
      %mul3A_22 = arith.muli %scan3A_20, %mul3A_21 : i32
      %add3A_23 = arith.constant 0 : i32
      %add3A_24 = arith.addi %add3A_23, %mul3A_22 : i32
      %dma_start3A = arith.constant 0 : i32
      %dma_start3A_25 = tpu.memref_slice %arg6[%add3A_24, %dma_start3A] : memref<79x128xi32, #tpu.memory_space<vmem>> -> memref<1x128xi32, #tpu.memory_space<vmem>>
      %dma_start3A_26 = tpu.memref_squeeze %dma_start3A_25 : memref<1x128xi32, #tpu.memory_space<vmem>> -> memref<128xi32, #tpu.memory_space<vmem>>
      %dma_start3A_27 = arith.constant 0 : i32
      %dma_start3A_28 = arith.constant 0 : i32
      %dma_start3A_29 = tpu.memref_slice %arg2[%dma_start3A_27, %dma_start3A_28] : memref<10240x128xf32, #tpu.memory_space<hbm>> -> memref<10240x128xf32, #tpu.memory_space<hbm>>
      tpu.enqueue_indirect_dma source(%dma_start3A_29 : memref<10240x128xf32, #tpu.memory_space<hbm>>) target(%arg8 : memref<128x128xf32, #tpu.memory_space<vmem>>) offsets(%dma_start3A_26 : memref<128xi32, #tpu.memory_space<vmem>>) semaphore(%arg11 : memref<!tpu.dma_semaphore, #tpu.memory_space<semaphore_mem>>)
      %dma_wait3A = arith.constant 0 : i32
      %dma_wait3A_30 = tpu.memref_slice %arg6[%add3A_24, %dma_wait3A] : memref<79x128xi32, #tpu.memory_space<vmem>> -> memref<1x128xi32, #tpu.memory_space<vmem>>
      %dma_wait3A_31 = tpu.memref_squeeze %dma_wait3A_30 : memref<1x128xi32, #tpu.memory_space<vmem>> -> memref<128xi32, #tpu.memory_space<vmem>>
      %dma_wait3A_32 = arith.constant 0 : i32
      %dma_wait3A_33 = arith.constant 0 : i32
      %dma_wait3A_34 = tpu.memref_slice %arg2[%dma_wait3A_32, %dma_wait3A_33] : memref<10240x128xf32, #tpu.memory_space<hbm>> -> memref<10240x128xf32, #tpu.memory_space<hbm>>
      tpu.wait_indirect_dma semaphore(%arg11 : memref<!tpu.dma_semaphore, #tpu.memory_space<semaphore_mem>>) src(%dma_wait3A_34 : memref<10240x128xf32, #tpu.memory_space<hbm>>) dst(%arg8 : memref<128x128xf32, #tpu.memory_space<vmem>>)
      "tpu.region"() ({
        %run_scoped3A = tpu.sem_alloc : memref<!tpu.dma_semaphore, #tpu.memory_space<semaphore_mem>>
        %dma_start3A_35 = arith.constant 0 : i32
        %dma_start3A_36 = tpu.memref_slice %arg7[%add3A_24, %dma_start3A_35] : memref<79x128xi32, #tpu.memory_space<vmem>> -> memref<1x128xi32, #tpu.memory_space<vmem>>
        %dma_start3A_37 = tpu.memref_squeeze %dma_start3A_36 : memref<1x128xi32, #tpu.memory_space<vmem>> -> memref<128xi32, #tpu.memory_space<vmem>>
        %dma_start3A_38 = arith.constant 0 : i32
        %dma_start3A_39 = arith.constant 0 : i32
        %dma_start3A_40 = tpu.memref_slice %arg10[%dma_start3A_38, %dma_start3A_39] : memref<10240x128xf32, #tpu.memory_space<vmem_shared>> -> memref<10240x128xf32, #tpu.memory_space<vmem_shared>>
        tpu.enqueue_indirect_dma source(%arg8 : memref<128x128xf32, #tpu.memory_space<vmem>>) target(%dma_start3A_40 : memref<10240x128xf32, #tpu.memory_space<vmem_shared>>) offsets(%dma_start3A_37 : memref<128xi32, #tpu.memory_space<vmem>>) semaphore(%run_scoped3A : memref<!tpu.dma_semaphore, #tpu.memory_space<semaphore_mem>>) {add = true}
        %dma_wait3A_41 = arith.constant 0 : i32
        %dma_wait3A_42 = tpu.memref_slice %arg7[%add3A_24, %dma_wait3A_41] : memref<79x128xi32, #tpu.memory_space<vmem>> -> memref<1x128xi32, #tpu.memory_space<vmem>>
        %dma_wait3A_43 = tpu.memref_squeeze %dma_wait3A_42 : memref<1x128xi32, #tpu.memory_space<vmem>> -> memref<128xi32, #tpu.memory_space<vmem>>
        %dma_wait3A_44 = arith.constant 0 : i32
        %dma_wait3A_45 = arith.constant 0 : i32
        %dma_wait3A_46 = tpu.memref_slice %arg10[%dma_wait3A_44, %dma_wait3A_45] : memref<10240x128xf32, #tpu.memory_space<vmem_shared>> -> memref<10240x128xf32, #tpu.memory_space<vmem_shared>>
        tpu.wait_indirect_dma semaphore(%run_scoped3A : memref<!tpu.dma_semaphore, #tpu.memory_space<semaphore_mem>>) src(%arg8 : memref<128x128xf32, #tpu.memory_space<vmem>>) dst(%dma_wait3A_46 : memref<10240x128xf32, #tpu.memory_space<vmem_shared>>)
        tpu.yield
      }) : () -> ()
    }
    %scan3A_14 = arith.constant 79 : i32
    %barrier3A_15 = arith.constant 0 : index
    tpu.barrier barrier_id(%barrier3A_15)
    %mul3A_16 = arith.constant 640 : i32
    %mul3A_17 = arith.muli %arg1, %mul3A_16 : i32
    %mul3A_18 = arith.constant 640 : i32
    %mul3A_19 = arith.muli %arg1, %mul3A_18 : i32
    "tpu.region"() ({
      %run_scoped3A = tpu.sem_alloc : memref<!tpu.dma_semaphore, #tpu.memory_space<semaphore_mem>>
      %dma_start3A = arith.constant 0 : i32
      %dma_start3A_20 = arith.constant 0 : i32
      %dma_start3A_21 = tpu.memref_slice %arg5[%arg0, %dma_start3A, %dma_start3A_20] : memref<2x10240x128xf32, #tpu.memory_space<hbm>> -> memref<1x10240x128xf32, #tpu.memory_space<hbm>>
      %dma_start3A_22 = tpu.memref_squeeze %dma_start3A_21 : memref<1x10240x128xf32, #tpu.memory_space<hbm>> -> memref<10240x128xf32, #tpu.memory_space<hbm>>
      %dma_start3A_23 = arith.constant 0 : i32
      %dma_start3A_24 = tpu.memref_slice %dma_start3A_22[%mul3A_19, %dma_start3A_23] : memref<10240x128xf32, #tpu.memory_space<hbm>> -> memref<640x128xf32, #tpu.memory_space<hbm>>
      %dma_start3A_25 = arith.constant 0 : i32
      %dma_start3A_26 = tpu.memref_slice %arg10[%mul3A_17, %dma_start3A_25] : memref<10240x128xf32, #tpu.memory_space<vmem_shared>> -> memref<640x128xf32, #tpu.memory_space<vmem_shared>>
      tpu.enqueue_dma source(%dma_start3A_26 : memref<640x128xf32, #tpu.memory_space<vmem_shared>>) target(%dma_start3A_24 : memref<640x128xf32, #tpu.memory_space<hbm>>) target_semaphore(%run_scoped3A : memref<!tpu.dma_semaphore, #tpu.memory_space<semaphore_mem>>)
      %dma_wait3A = arith.constant 0 : i32
      %dma_wait3A_27 = arith.constant 0 : i32
      %dma_wait3A_28 = tpu.memref_slice %arg5[%arg0, %dma_wait3A, %dma_wait3A_27] : memref<2x10240x128xf32, #tpu.memory_space<hbm>> -> memref<1x10240x128xf32, #tpu.memory_space<hbm>>
      %dma_wait3A_29 = tpu.memref_squeeze %dma_wait3A_28 : memref<1x10240x128xf32, #tpu.memory_space<hbm>> -> memref<10240x128xf32, #tpu.memory_space<hbm>>
      %dma_wait3A_30 = arith.constant 0 : i32
      %dma_wait3A_31 = tpu.memref_slice %dma_wait3A_29[%mul3A_19, %dma_wait3A_30] : memref<10240x128xf32, #tpu.memory_space<hbm>> -> memref<640x128xf32, #tpu.memory_space<hbm>>
      %dma_wait3A_32 = arith.constant 0 : i32
      %dma_wait3A_33 = tpu.memref_slice %arg10[%mul3A_17, %dma_wait3A_32] : memref<10240x128xf32, #tpu.memory_space<vmem_shared>> -> memref<640x128xf32, #tpu.memory_space<vmem_shared>>
      tpu.wait_dma2 semaphore(%run_scoped3A : memref<!tpu.dma_semaphore, #tpu.memory_space<semaphore_mem>>) src(%dma_wait3A_33 : memref<640x128xf32, #tpu.memory_space<vmem_shared>>) dst(%dma_wait3A_31 : memref<640x128xf32, #tpu.memory_space<hbm>>)
      tpu.yield
    }) : () -> ()
    return
  }
}

module attributes {stable_mosaic.version = 14 : i64} {
  func.func @_final_body(%arg0: i32, %arg1: memref<2x512x128xf32, #tpu.memory_space<vmem>>, %arg2: memref<512x128xf32, #tpu.memory_space<vmem>>, %arg3: memref<512x1xf32, #tpu.memory_space<vmem>>, %arg4: memref<1x128xf32, #tpu.memory_space<vmem>>, %arg5: memref<1x1x512xi32, #tpu.memory_space<vmem>>, %arg6: memref<128x1xf32, #tpu.memory_space<vmem>>, %arg7: memref<1x1xf32, #tpu.memory_space<vmem>>, %arg8: memref<64x1xf32, #tpu.memory_space<vmem>>, %arg9: memref<64x128xf32, #tpu.memory_space<vmem>>, %arg10: memref<64x128xf32, #tpu.memory_space<vmem>>) attributes {dimension_semantics = [#tpu.dimension_semantics<arbitrary>], iteration_bounds = array<i64: 20>, scalar_prefetch = 0 : i64, scratch_operands = 2 : i64, tpu.core_type = #tpu.core_type<tc>, window_params = [{transform_indices = @transform_0, window_bounds = array<i64: 2, 512, 128>}, {transform_indices = @transform_1, window_bounds = array<i64: 512, 128>}, {transform_indices = @transform_2, window_bounds = array<i64: 512, 1>}, {pipeline_mode = #tpu.pipeline_mode<synchronous>, transform_indices = @transform_3, window_bounds = array<i64: 1, 128>}, {transform_indices = @transform_4, window_bounds = array<i64: 1, 1, 512>}, {pipeline_mode = #tpu.pipeline_mode<synchronous>, transform_indices = @transform_5, window_bounds = array<i64: 128, 1>}, {pipeline_mode = #tpu.pipeline_mode<synchronous>, transform_indices = @transform_6, window_bounds = array<i64: 1, 1>}, {pipeline_mode = #tpu.pipeline_mode<synchronous>, transform_indices = @transform_7, window_bounds = array<i64: 64, 1>}]} {
    %eq3A = arith.constant 0 : i32
    %eq3A_0 = arith.cmpi eq, %arg0, %eq3A : i32
    %convert_element_type3A = arith.extui %eq3A_0 : i1 to i32
    %cond3A = arith.constant 0 : i32
    %cond3A_1 = arith.cmpi ne, %convert_element_type3A, %cond3A : i32
    scf.if %cond3A_1 {
      %broadcast_in_dim3A_55 = arith.constant 0.000000e+00 : f32
      %broadcast_in_dim3A_56 = vector.broadcast %broadcast_in_dim3A_55 : f32 to vector<64x128xf32>
      %swap3A_57 = arith.constant 0 : index
      %swap3A_58 = arith.constant 0 : index
      %swap3A_59 = vector.load %arg9[%swap3A_57, %swap3A_58] : memref<64x128xf32, #tpu.memory_space<vmem>>, vector<64x128xf32>
      tpu.vector_store %arg9[%swap3A_57, %swap3A_58], %broadcast_in_dim3A_56 {strides = array<i32>} : memref<64x128xf32, #tpu.memory_space<vmem>>, vector<64x128xf32>,
      %broadcast_in_dim3A_60 = arith.constant 0.000000e+00 : f32
      %broadcast_in_dim3A_61 = vector.broadcast %broadcast_in_dim3A_60 : f32 to vector<64x128xf32>
      %swap3A_62 = arith.constant 0 : index
      %swap3A_63 = arith.constant 0 : index
      %swap3A_64 = vector.load %arg10[%swap3A_62, %swap3A_63] : memref<64x128xf32, #tpu.memory_space<vmem>>, vector<64x128xf32>
      tpu.vector_store %arg10[%swap3A_62, %swap3A_63], %broadcast_in_dim3A_61 {strides = array<i32>} : memref<64x128xf32, #tpu.memory_space<vmem>>, vector<64x128xf32>,
    } else {
    }
    %get3A = arith.constant 0 : index
    %get3A_2 = arith.constant 0 : index
    %get3A_3 = vector.load %arg3[%get3A, %get3A_2] : memref<512x1xf32, #tpu.memory_space<vmem>>, vector<512x1xf32>
    %get3A_4 = arith.constant 0 : index
    %get3A_5 = arith.constant 0 : index
    %get3A_6 = arith.constant 0 : index
    %get3A_7 = vector.load %arg1[%get3A_4, %get3A_5, %get3A_6] : memref<2x512x128xf32, #tpu.memory_space<vmem>>, vector<1x512x128xf32>
    %get3A_8 = vector.shape_cast %get3A_7 : vector<1x512x128xf32> to vector<512x128xf32>
    %get3A_9 = arith.constant 1 : index
    %get3A_10 = arith.constant 0 : index
    %get3A_11 = arith.constant 0 : index
    %get3A_12 = vector.load %arg1[%get3A_9, %get3A_10, %get3A_11] : memref<2x512x128xf32, #tpu.memory_space<vmem>>, vector<1x512x128xf32>
    %get3A_13 = vector.shape_cast %get3A_12 : vector<1x512x128xf32> to vector<512x128xf32>
    %add3A = arith.addf %get3A_8, %get3A_13 : vector<512x128xf32>
    %get3A_14 = arith.constant 0 : index
    %get3A_15 = arith.constant 0 : index
    %get3A_16 = vector.load %arg2[%get3A_14, %get3A_15] : memref<512x128xf32, #tpu.memory_space<vmem>>, vector<512x128xf32>
    %add3A_17 = arith.addf %add3A, %get3A_16 : vector<512x128xf32>
    %mul3A = vector.broadcast %get3A_3 : vector<512x1xf32> to vector<512x128xf32>
    %mul3A_18 = arith.mulf %mul3A, %add3A_17 : vector<512x128xf32>
    %get3A_19 = arith.constant 0 : index
    %get3A_20 = arith.constant 0 : index
    %get3A_21 = vector.load %arg4[%get3A_19, %get3A_20] : memref<1x128xf32, #tpu.memory_space<vmem>>, vector<1x128xf32>
    %add3A_22 = vector.broadcast %get3A_21 : vector<1x128xf32> to vector<512x128xf32>
    %add3A_23 = arith.addf %mul3A_18, %add3A_22 : vector<512x128xf32>
    %get3A_24 = arith.constant 0 : index
    %get3A_25 = arith.constant 0 : index
    %get3A_26 = arith.constant 0 : index
    %get3A_27 = vector.load %arg5[%get3A_24, %get3A_25, %get3A_26] : memref<1x1x512xi32, #tpu.memory_space<vmem>>, vector<1x1x512xi32>
    %get3A_28 = vector.shape_cast %get3A_27 : vector<1x1x512xi32> to vector<512xi32>
    %iota3A = tpu.iota {dimensions = array<i32: 0>} : vector<64x512xi32>
    %broadcast_in_dim3A = vector.shape_cast %get3A_28 : vector<512xi32> to vector<1x512xi32>
    %eq3A_29 = vector.broadcast %broadcast_in_dim3A : vector<1x512xi32> to vector<64x512xi32>
    %eq3A_30 = arith.cmpi eq, %eq3A_29, %iota3A : vector<64x512xi32>
    %convert_element_type3A_31 = arith.extui %eq3A_30 : vector<64x512xi1> to vector<64x512xi32>
    %convert_element_type3A_32 = arith.sitofp %convert_element_type3A_31 : vector<64x512xi32> to vector<64x512xf32>
    %get3A_33 = arith.constant 0 : index
    %get3A_34 = arith.constant 0 : index
    %get3A_35 = vector.load %arg9[%get3A_33, %get3A_34] : memref<64x128xf32, #tpu.memory_space<vmem>>, vector<64x128xf32>
    %dot_general3A = arith.constant dense<0.000000e+00> : vector<64x128xf32>
    %dot_general3A_36 = tpu.matmul %convert_element_type3A_32, %add3A_23, %dot_general3A {dimension_numbers = #tpu.dot_dimension_numbers<[1], [0], [0], [1], [0, 0, 1, 1], [], []>, transpose_lhs_hint = false} : vector<64x512xf32>, vector<512x128xf32>, vector<64x128xf32> -> vector<64x128xf32>
    %add3A_37 = arith.addf %get3A_35, %dot_general3A_36 : vector<64x128xf32>
    %swap3A = arith.constant 0 : index
    %swap3A_38 = arith.constant 0 : index
    %swap3A_39 = vector.load %arg9[%swap3A, %swap3A_38] : memref<64x128xf32, #tpu.memory_space<vmem>>, vector<64x128xf32>
    tpu.vector_store %arg9[%swap3A, %swap3A_38], %add3A_37 {strides = array<i32>} : memref<64x128xf32, #tpu.memory_space<vmem>>, vector<64x128xf32>,
    %get3A_40 = arith.constant 0 : index
    %get3A_41 = arith.constant 0 : index
    %get3A_42 = vector.load %arg10[%get3A_40, %get3A_41] : memref<64x128xf32, #tpu.memory_space<vmem>>, vector<64x128xf32>
    %reduce_sum3A = arith.constant dense<0.000000e+00> : vector<64xf32>
    %reduce_sum3A_43 = vector.multi_reduction <add>, %convert_element_type3A_32, %reduce_sum3A [1] : vector<64x512xf32> to vector<64xf32>
    %broadcast_in_dim3A_44 = vector.shape_cast %reduce_sum3A_43 : vector<64xf32> to vector<64x1xf32>
    %add3A_45 = vector.broadcast %broadcast_in_dim3A_44 : vector<64x1xf32> to vector<64x128xf32>
    %add3A_46 = arith.addf %get3A_42, %add3A_45 : vector<64x128xf32>
    %swap3A_47 = arith.constant 0 : index
    %swap3A_48 = arith.constant 0 : index
    %swap3A_49 = vector.load %arg10[%swap3A_47, %swap3A_48] : memref<64x128xf32, #tpu.memory_space<vmem>>, vector<64x128xf32>
    tpu.vector_store %arg10[%swap3A_47, %swap3A_48], %add3A_46 {strides = array<i32>} : memref<64x128xf32, #tpu.memory_space<vmem>>, vector<64x128xf32>,
    %eq3A_50 = arith.constant 19 : i32
    %eq3A_51 = arith.cmpi eq, %arg0, %eq3A_50 : i32
    %convert_element_type3A_52 = arith.extui %eq3A_51 : i1 to i32
    %cond3A_53 = arith.constant 0 : i32
    %cond3A_54 = arith.cmpi ne, %convert_element_type3A_52, %cond3A_53 : i32
    scf.if %cond3A_54 {
      %get3A_55 = arith.constant 0 : index
      %get3A_56 = arith.constant 0 : index
      %get3A_57 = vector.load %arg9[%get3A_55, %get3A_56] : memref<64x128xf32, #tpu.memory_space<vmem>>, vector<64x128xf32>
      %get3A_58 = arith.constant 0 : index
      %get3A_59 = arith.constant 0 : index
      %get3A_60 = vector.load %arg10[%get3A_58, %get3A_59] : memref<64x128xf32, #tpu.memory_space<vmem>>, vector<64x128xf32>
      %max3A = arith.constant 1.000000e+00 : f32
      %max3A_61 = vector.broadcast %max3A : f32 to vector<64x128xf32>
      %max3A_62 = arith.maximumf %get3A_60, %max3A_61 : vector<64x128xf32>
      %div3A = arith.divf %get3A_57, %max3A_62 : vector<64x128xf32>
      %get3A_63 = arith.constant 0 : index
      %get3A_64 = arith.constant 0 : index
      %get3A_65 = vector.load %arg6[%get3A_63, %get3A_64] : memref<128x1xf32, #tpu.memory_space<vmem>>, vector<128x1xf32>
      %dot_general3A_66 = arith.constant dense<0.000000e+00> : vector<64x1xf32>
      %dot_general3A_67 = tpu.matmul %div3A, %get3A_65, %dot_general3A_66 {dimension_numbers = #tpu.dot_dimension_numbers<[1], [0], [0], [1], [0, 0, 1, 1], [], []>, transpose_lhs_hint = false} : vector<64x128xf32>, vector<128x1xf32>, vector<64x1xf32> -> vector<64x1xf32>
      %get3A_68 = arith.constant 0 : index
      %get3A_69 = arith.constant 0 : index
      %get3A_70 = vector.load %arg7[%get3A_68, %get3A_69] : memref<1x1xf32, #tpu.memory_space<vmem>>, vector<1x1xf32>
      %add3A_71 = vector.broadcast %get3A_70 : vector<1x1xf32> to vector<64x1xf32>
      %add3A_72 = arith.addf %dot_general3A_67, %add3A_71 : vector<64x1xf32>
      %swap3A_73 = arith.constant 0 : index
      %swap3A_74 = arith.constant 0 : index
      %swap3A_75 = vector.load %arg8[%swap3A_73, %swap3A_74] : memref<64x1xf32, #tpu.memory_space<vmem>>, vector<64x1xf32>
      tpu.vector_store %arg8[%swap3A_73, %swap3A_74], %add3A_72 {strides = array<i32>} : memref<64x1xf32, #tpu.memory_space<vmem>>, vector<64x1xf32>,
    } else {
    }
    return
  }
  func.func @transform_0(%arg0: i32) -> (i32, i32, i32) {
    %c0_i32 = arith.constant 0 : i32
    %c0_i32_0 = arith.constant 0 : i32
    %c0_i32_1 = arith.constant 0 : i32
    return %c0_i32, %arg0, %c0_i32_0 : i32, i32, i32
  }
  func.func @transform_1(%arg0: i32) -> (i32, i32) {
    %c0_i32 = arith.constant 0 : i32
    %c0_i32_0 = arith.constant 0 : i32
    return %arg0, %c0_i32 : i32, i32
  }
  func.func @transform_2(%arg0: i32) -> (i32, i32) {
    %c0_i32 = arith.constant 0 : i32
    %c0_i32_0 = arith.constant 0 : i32
    return %arg0, %c0_i32 : i32, i32
  }
  func.func @transform_3(%arg0: i32) -> (i32, i32) {
    %c0_i32 = arith.constant 0 : i32
    %c0_i32_0 = arith.constant 0 : i32
    %c0_i32_1 = arith.constant 0 : i32
    return %c0_i32, %c0_i32_0 : i32, i32
  }
  func.func @transform_4(%arg0: i32) -> (i32, i32, i32) {
    %c0_i32 = arith.constant 0 : i32
    %c0_i32_0 = arith.constant 0 : i32
    %c0_i32_1 = arith.constant 0 : i32
    return %arg0, %c0_i32, %c0_i32_0 : i32, i32, i32
  }
  func.func @transform_5(%arg0: i32) -> (i32, i32) {
    %c0_i32 = arith.constant 0 : i32
    %c0_i32_0 = arith.constant 0 : i32
    %c0_i32_1 = arith.constant 0 : i32
    return %c0_i32, %c0_i32_0 : i32, i32
  }
  func.func @transform_6(%arg0: i32) -> (i32, i32) {
    %c0_i32 = arith.constant 0 : i32
    %c0_i32_0 = arith.constant 0 : i32
    %c0_i32_1 = arith.constant 0 : i32
    return %c0_i32, %c0_i32_0 : i32, i32
  }
  func.func @transform_7(%arg0: i32) -> (i32, i32) {
    %c0_i32 = arith.constant 0 : i32
    %c0_i32_0 = arith.constant 0 : i32
    %c0_i32_1 = arith.constant 0 : i32
    return %c0_i32, %c0_i32_0 : i32, i32
  }
}

module attributes {stable_mosaic.version = 14 : i64} {
  func.func @_prep_body(%arg0: i32, %arg1: memref<2x512x16xf32, #tpu.memory_space<vmem>>, %arg2: memref<512x128xf32, #tpu.memory_space<vmem>>, %arg3: memref<128x128xf32, #tpu.memory_space<vmem>>, %arg4: memref<512x1xf32, #tpu.memory_space<vmem>>, %arg5: memref<512x128xf32, #tpu.memory_space<vmem>>) attributes {dimension_semantics = [#tpu.dimension_semantics<arbitrary>], iteration_bounds = array<i64: 20>, scalar_prefetch = 0 : i64, scratch_operands = 0 : i64, tpu.core_type = #tpu.core_type<tc>, window_params = [{transform_indices = @transform_0, window_bounds = array<i64: 2, 512, 16>}, {transform_indices = @transform_1, window_bounds = array<i64: 512, 128>}, {pipeline_mode = #tpu.pipeline_mode<synchronous>, transform_indices = @transform_2, window_bounds = array<i64: 128, 128>}, {transform_indices = @transform_3, window_bounds = array<i64: 512, 1>}, {transform_indices = @transform_4, window_bounds = array<i64: 512, 128>}]} {
    %get3A = arith.constant 0 : index
    %get3A_0 = arith.constant 0 : index
    %get3A_1 = arith.constant 0 : index
    %get3A_2 = vector.load %arg1[%get3A, %get3A_0, %get3A_1] : memref<2x512x16xf32, #tpu.memory_space<vmem>>, vector<1x512x1xf32>
    %get3A_3 = vector.shape_cast %get3A_2 : vector<1x512x1xf32> to vector<512x1xf32>
    %get3A_4 = arith.constant 1 : index
    %get3A_5 = arith.constant 0 : index
    %get3A_6 = arith.constant 0 : index
    %get3A_7 = vector.load %arg1[%get3A_4, %get3A_5, %get3A_6] : memref<2x512x16xf32, #tpu.memory_space<vmem>>, vector<1x512x1xf32>
    %get3A_8 = vector.shape_cast %get3A_7 : vector<1x512x1xf32> to vector<512x1xf32>
    %add3A = arith.addf %get3A_3, %get3A_8 : vector<512x1xf32>
    %add3A_9 = arith.constant 1.000000e+00 : f32
    %add3A_10 = vector.broadcast %add3A_9 : f32 to vector<512x1xf32>
    %add3A_11 = arith.addf %add3A, %add3A_10 : vector<512x1xf32>
    %rsqrt3A = math.rsqrt %add3A_11 : vector<512x1xf32>
    %swap3A = arith.constant 0 : index
    %swap3A_12 = arith.constant 0 : index
    %swap3A_13 = vector.load %arg4[%swap3A, %swap3A_12] : memref<512x1xf32, #tpu.memory_space<vmem>>, vector<512x1xf32>
    tpu.vector_store %arg4[%swap3A, %swap3A_12], %rsqrt3A {strides = array<i32>} : memref<512x1xf32, #tpu.memory_space<vmem>>, vector<512x1xf32>,
    %get3A_14 = arith.constant 0 : index
    %get3A_15 = arith.constant 0 : index
    %get3A_16 = vector.load %arg2[%get3A_14, %get3A_15] : memref<512x128xf32, #tpu.memory_space<vmem>>, vector<512x128xf32>
    %get3A_17 = arith.constant 0 : index
    %get3A_18 = arith.constant 0 : index
    %get3A_19 = vector.load %arg3[%get3A_17, %get3A_18] : memref<128x128xf32, #tpu.memory_space<vmem>>, vector<128x128xf32>
    %dot_general3A = arith.constant dense<0.000000e+00> : vector<512x128xf32>
    %dot_general3A_20 = tpu.matmul %get3A_16, %get3A_19, %dot_general3A {dimension_numbers = #tpu.dot_dimension_numbers<[1], [0], [0], [1], [0, 0, 1, 1], [], []>, transpose_lhs_hint = false} : vector<512x128xf32>, vector<128x128xf32>, vector<512x128xf32> -> vector<512x128xf32>
    %mul3A = vector.broadcast %rsqrt3A : vector<512x1xf32> to vector<512x128xf32>
    %mul3A_21 = arith.mulf %dot_general3A_20, %mul3A : vector<512x128xf32>
    %swap3A_22 = arith.constant 0 : index
    %swap3A_23 = arith.constant 0 : index
    %swap3A_24 = vector.load %arg5[%swap3A_22, %swap3A_23] : memref<512x128xf32, #tpu.memory_space<vmem>>, vector<512x128xf32>
    tpu.vector_store %arg5[%swap3A_22, %swap3A_23], %mul3A_21 {strides = array<i32>} : memref<512x128xf32, #tpu.memory_space<vmem>>, vector<512x128xf32>,
    return
  }
  func.func @transform_0(%arg0: i32) -> (i32, i32, i32) {
    %c0_i32 = arith.constant 0 : i32
    %c0_i32_0 = arith.constant 0 : i32
    %c0_i32_1 = arith.constant 0 : i32
    return %c0_i32, %arg0, %c0_i32_0 : i32, i32, i32
  }
  func.func @transform_1(%arg0: i32) -> (i32, i32) {
    %c0_i32 = arith.constant 0 : i32
    %c0_i32_0 = arith.constant 0 : i32
    return %arg0, %c0_i32 : i32, i32
  }
  func.func @transform_2(%arg0: i32) -> (i32, i32) {
    %c0_i32 = arith.constant 0 : i32
    %c0_i32_0 = arith.constant 0 : i32
    %c0_i32_1 = arith.constant 0 : i32
    return %c0_i32, %c0_i32_0 : i32, i32
  }
  func.func @transform_3(%arg0: i32) -> (i32, i32) {
    %c0_i32 = arith.constant 0 : i32
    %c0_i32_0 = arith.constant 0 : i32
    return %arg0, %c0_i32 : i32, i32
  }
  func.func @transform_4(%arg0: i32) -> (i32, i32) {
    %c0_i32 = arith.constant 0 : i32
    %c0_i32_0 = arith.constant 0 : i32
    return %arg0, %c0_i32 : i32, i32
  }
}

module attributes {stable_mosaic.version = 14 : i64} {
  func.func @_layer_body(%arg0: i32, %arg1: memref<2x512x128xf32, #tpu.memory_space<vmem>>, %arg2: memref<512x128xf32, #tpu.memory_space<vmem>>, %arg3: memref<512x1xf32, #tpu.memory_space<vmem>>, %arg4: memref<1x128xf32, #tpu.memory_space<vmem>>, %arg5: memref<128x128xf32, #tpu.memory_space<vmem>>, %arg6: memref<512x128xf32, #tpu.memory_space<vmem>>) attributes {dimension_semantics = [#tpu.dimension_semantics<arbitrary>], iteration_bounds = array<i64: 20>, scalar_prefetch = 0 : i64, scratch_operands = 0 : i64, tpu.core_type = #tpu.core_type<tc>, window_params = [{transform_indices = @transform_0, window_bounds = array<i64: 2, 512, 128>}, {transform_indices = @transform_1, window_bounds = array<i64: 512, 128>}, {transform_indices = @transform_2, window_bounds = array<i64: 512, 1>}, {pipeline_mode = #tpu.pipeline_mode<synchronous>, transform_indices = @transform_3, window_bounds = array<i64: 1, 128>}, {pipeline_mode = #tpu.pipeline_mode<synchronous>, transform_indices = @transform_4, window_bounds = array<i64: 128, 128>}, {transform_indices = @transform_5, window_bounds = array<i64: 512, 128>}]} {
    %get3A = arith.constant 0 : index
    %get3A_0 = arith.constant 0 : index
    %get3A_1 = vector.load %arg3[%get3A, %get3A_0] : memref<512x1xf32, #tpu.memory_space<vmem>>, vector<512x1xf32>
    %get3A_2 = arith.constant 0 : index
    %get3A_3 = arith.constant 0 : index
    %get3A_4 = arith.constant 0 : index
    %get3A_5 = vector.load %arg1[%get3A_2, %get3A_3, %get3A_4] : memref<2x512x128xf32, #tpu.memory_space<vmem>>, vector<1x512x128xf32>
    %get3A_6 = vector.shape_cast %get3A_5 : vector<1x512x128xf32> to vector<512x128xf32>
    %get3A_7 = arith.constant 1 : index
    %get3A_8 = arith.constant 0 : index
    %get3A_9 = arith.constant 0 : index
    %get3A_10 = vector.load %arg1[%get3A_7, %get3A_8, %get3A_9] : memref<2x512x128xf32, #tpu.memory_space<vmem>>, vector<1x512x128xf32>
    %get3A_11 = vector.shape_cast %get3A_10 : vector<1x512x128xf32> to vector<512x128xf32>
    %add3A = arith.addf %get3A_6, %get3A_11 : vector<512x128xf32>
    %get3A_12 = arith.constant 0 : index
    %get3A_13 = arith.constant 0 : index
    %get3A_14 = vector.load %arg2[%get3A_12, %get3A_13] : memref<512x128xf32, #tpu.memory_space<vmem>>, vector<512x128xf32>
    %add3A_15 = arith.addf %add3A, %get3A_14 : vector<512x128xf32>
    %mul3A = vector.broadcast %get3A_1 : vector<512x1xf32> to vector<512x128xf32>
    %mul3A_16 = arith.mulf %mul3A, %add3A_15 : vector<512x128xf32>
    %get3A_17 = arith.constant 0 : index
    %get3A_18 = arith.constant 0 : index
    %get3A_19 = vector.load %arg4[%get3A_17, %get3A_18] : memref<1x128xf32, #tpu.memory_space<vmem>>, vector<1x128xf32>
    %add3A_20 = vector.broadcast %get3A_19 : vector<1x128xf32> to vector<512x128xf32>
    %add3A_21 = arith.addf %mul3A_16, %add3A_20 : vector<512x128xf32>
    %max3A = arith.constant 0.000000e+00 : f32
    %max3A_22 = vector.broadcast %max3A : f32 to vector<512x128xf32>
    %max3A_23 = arith.maximumf %add3A_21, %max3A_22 : vector<512x128xf32>
    %get3A_24 = arith.constant 0 : index
    %get3A_25 = arith.constant 0 : index
    %get3A_26 = vector.load %arg5[%get3A_24, %get3A_25] : memref<128x128xf32, #tpu.memory_space<vmem>>, vector<128x128xf32>
    %dot_general3A = arith.constant dense<0.000000e+00> : vector<512x128xf32>
    %dot_general3A_27 = tpu.matmul %max3A_23, %get3A_26, %dot_general3A {dimension_numbers = #tpu.dot_dimension_numbers<[1], [0], [0], [1], [0, 0, 1, 1], [], []>, transpose_lhs_hint = false} : vector<512x128xf32>, vector<128x128xf32>, vector<512x128xf32> -> vector<512x128xf32>
    %mul3A_28 = vector.broadcast %get3A_1 : vector<512x1xf32> to vector<512x128xf32>
    %mul3A_29 = arith.mulf %dot_general3A_27, %mul3A_28 : vector<512x128xf32>
    %swap3A = arith.constant 0 : index
    %swap3A_30 = arith.constant 0 : index
    %swap3A_31 = vector.load %arg6[%swap3A, %swap3A_30] : memref<512x128xf32, #tpu.memory_space<vmem>>, vector<512x128xf32>
    tpu.vector_store %arg6[%swap3A, %swap3A_30], %mul3A_29 {strides = array<i32>} : memref<512x128xf32, #tpu.memory_space<vmem>>, vector<512x128xf32>,
    return
  }
  func.func @transform_0(%arg0: i32) -> (i32, i32, i32) {
    %c0_i32 = arith.constant 0 : i32
    %c0_i32_0 = arith.constant 0 : i32
    %c0_i32_1 = arith.constant 0 : i32
    return %c0_i32, %arg0, %c0_i32_0 : i32, i32, i32
  }
  func.func @transform_1(%arg0: i32) -> (i32, i32) {
    %c0_i32 = arith.constant 0 : i32
    %c0_i32_0 = arith.constant 0 : i32
    return %arg0, %c0_i32 : i32, i32
  }
  func.func @transform_2(%arg0: i32) -> (i32, i32) {
    %c0_i32 = arith.constant 0 : i32
    %c0_i32_0 = arith.constant 0 : i32
    return %arg0, %c0_i32 : i32, i32
  }
  func.func @transform_3(%arg0: i32) -> (i32, i32) {
    %c0_i32 = arith.constant 0 : i32
    %c0_i32_0 = arith.constant 0 : i32
    %c0_i32_1 = arith.constant 0 : i32
    return %c0_i32, %c0_i32_0 : i32, i32
  }
  func.func @transform_4(%arg0: i32) -> (i32, i32) {
    %c0_i32 = arith.constant 0 : i32
    %c0_i32_0 = arith.constant 0 : i32
    %c0_i32_1 = arith.constant 0 : i32
    return %c0_i32, %c0_i32_0 : i32, i32
  }
  func.func @transform_5(%arg0: i32) -> (i32, i32) {
    %c0_i32 = arith.constant 0 : i32
    %c0_i32_0 = arith.constant 0 : i32
    return %arg0, %c0_i32 : i32, i32
  }
}

</mosaic_0001>

<sc_bundles>
// kernel: kernel.10.cloned.1.call-start
scs
__scs_entry_jumppad:
0x0: {  	(pc) =	sbr.rel $0x88, $3  }
0x1: {  	(tag) =	ssettag $0x0;
	lr =	simm.s32 $0x1  }
0x2: {  	[smem:$0x3F96] =	sst lr;
	_ =	strace $0xD0000000  }
0x3: {  	_ = 	snop  }
0x4: {  	_ = 	snop  }
0x5: {  	_ = 	snop  }
0x6: {  	_ = 	snop  }
0x7: {  	_ = 	snop  }
__scs_overlays_trampoline_lowered:
0x8: {  	[smem:$0x3FA5] =	sst s0  }
0x9: {  	[smem:$0x3FA6] =	sst s1  }
0xa: {  	[smem:$0x3FA7] =	sst s2  }
0xb: {  	[smem:$0x3FA8] =	sst s3  }
0xc: {  	[smem:$0x3FA9] =	sst s4  }
0xd: {  	[smem:$0x3FAA] =	sst s5  }
0xe: {  	[smem:$0x3FAB] =	sst s6  }
0xf: {  	[smem:$0x3FAC] =	sst s7  }
0x10: {  	[smem:$0x3FAD] =	sst s8  }
0x11: {  	[smem:$0x3FAE] =	sst s9;
	s0 =	simm.s32 @!p0 $0x0  }
0x12: {  	s1 =	sld [smem:$0x3F94];
	s0 =	simm.s32 @p0 $0x1  }
0x13: {  	[smem:$0x3FAF] =	sst s0;
	s0 =	simm.s32 @!p1 $0x0  }
0x14: {  	s2 =	sld [smem:$0x3F93];
	s0 =	simm.s32 @p1 $0x1  }
0x15: {  	[smem:$0x3FB0] =	sst s0;
	s0 =	simm.s32 @!p2 $0x0  }
0x16: {  	s3 =	sld [smem:$0x3FDB];
	s0 =	simm.s32 @p2 $0x1  }
0x17: {  	s4 =	simm.s32 $0x1BF5;
	[smem:$0x3FB2] =	sst s0  }
0x18: {  	s0 =	sld [smem:$0x3F95];
	_ =	swait.ge [sflag:s4], $0x0  }
0x19: {  	s7 =	sld [smem:$0x3F96]  }
0x1a: {  	s8 =	sadd.s32 $0xFFFFE003, lr  }
0x1b: {  	s9 =	sadd.s32 $0xFFFFFEF7, lr;
	s5 =	simm.s32 $0xFFFFFFFF;
	p2 =	slt.u32 s8, $0xFFFFF086  }
0x1c: {  	p1 =	slt.u32 s9, $0xF7A;
	s5 =	simm.s32 @!p2 $0x0  }
0x1d: {  	s5 =	simm.s32 @p1 $0x1;
	p0 =	seq.s32 s7, s2  }
0x1e: {  	s7 =	smul.u32 @!p0 $0xF7A, s2;
	p2 =	seq.s32 @!p0 s5, $0x0  }
0x1f: {  	s9 =	smul.u32 $0xF7A, s1;
	s8 =	simm.s32 @!p0 $0x1BF5;
	p2 =	por !p2, p0  }
0x20: {  	[sflag:s8] =	ssyncset.s32 @!p0 $0xFFFFF086;
	s6 =	sadd.s32 @!p0 s3, s7;
	s7 =	simm.s32 @!p0 $0x108  }
0x21: {  	s3 =	sadd.s32 s3, s9;
	s6 =	sadd.s32 @!p0 $0x88, s6;
	s7 =	simm.s32 @p2 $0x1082  }
0x22: {  	[simem:s7], [sflag:s8] =	dma.local @!p0 [hbm:s6], $0xF7A  }
0x23: {  	s9 =	sor.u32 $0xD0000000, s2;
	s6 =	simm.s32 $0x108;
	_ =	swait.ge @!p0 [sflag:s8], $0x0  }
0x24: {  	s3 =	sadd.s32 $0x88, s3;
	s6 =	simm.s32 @!p1 $0x1082;
	[sflag:s4] =	ssyncset.s32 $0xFFFFF086  }
0x25: {  	[simem:s6], [sflag:s4] =	dma.local [hbm:s3], $0xF7A  }
0x26: {  	[smem:$0x3F96] =	sst s1;
	(tag) =	ssettag s2;
	_ =	strace s9  }
0x27: {  	s1 =	sld [smem:$0x3FA6]  }
0x28: {  	s2 =	sld [smem:$0x3FA7]  }
0x29: {  	s4 =	sld [smem:$0x3FA9]  }
0x2a: {  	p0 =	seq.s32 s5, $0x0;
	s5 =	sld [smem:$0x3FAA]  }
0x2b: {  	s6 =	sld [smem:$0x3FAB]  }
0x2c: {  	s7 =	sld [smem:$0x3FAC]  }
0x2d: {  	s3 =	simm.s32 $0x108;
	s8 =	sld [smem:$0x3FAD]  }
0x2e: {  	s3 =	simm.s32 @!p0 $0x1082;
	s9 =	sld [smem:$0x3FAE]  }
0x2f: {  	lr =	sadd.s32 s0, s3;
	s0 =	sld [smem:$0x3FA5]  }
0x30: {  	s3 =	sld [smem:$0x3FA8]  }
0x31: {  	[smem:$0x3FB1] =	sst s10  }
0x32: {  	s10 =	sld [smem:$0x3FAF];
	_ =	sdelay $0x3  }
0x33: {  	p0 =	seq.s32 s10, $0x1;
	s10 =	sld [smem:$0x3FB1];
	_ =	sdelay $0x3  }
0x34: {  	[smem:$0x3FB1] =	sst s10  }
0x35: {  	s10 =	sld [smem:$0x3FB0];
	_ =	sdelay $0x3  }
0x36: {  	p1 =	seq.s32 s10, $0x1;
	s10 =	sld [smem:$0x3FB1];
	_ =	sdelay $0x3  }
0x37: {  	[smem:$0x3FB1] =	sst s10  }
0x38: {  	s10 =	sld [smem:$0x3FB2]  }
0x39: {  	_ = 	snop;
	(pc) =	sbr.ind lr, $3  }
0x3a: {  	_ = 	snop  }
0x3b: {  	_ = 	snop  }
0x3c: {  	p2 =	seq.s32 s10, $0x1;
	s10 =	sld [smem:$0x3FB1]  }
0x3d: {  	_ =	shalt  }
0x3e: {  	_ =	shalt  }
0x3f: {  	_ =	shalt  }
0x40: {  	_ =	shalt  }
0x41: {  	_ =	shalt  }
0x42: {  	_ =	shalt  }
0x43: {  	_ =	shalt  }
0x44: {  	_ =	shalt  }
0x45: {  	_ =	shalt  }
0x46: {  	_ =	shalt  }
0x47: {  	_ =	shalt  }
0x48: {  	_ =	shalt  }
0x49: {  	_ =	shalt  }
0x4a: {  	_ =	shalt  }
0x4b: {  	_ =	shalt  }
0x4c: {  	_ =	shalt  }
0x4d: {  	_ =	shalt  }
0x4e: {  	_ =	shalt  }
0x4f: {  	_ =	shalt  }
0x50: {  	_ =	shalt  }
0x51: {  	_ =	shalt  }
0x52: {  	_ =	shalt  }
0x53: {  	_ =	shalt  }
0x54: {  	_ =	shalt  }
0x55: {  	_ =	shalt  }
0x56: {  	_ =	shalt  }
0x57: {  	_ =	shalt  }
0x58: {  	_ =	shalt  }
0x59: {  	_ =	shalt  }
0x5a: {  	_ =	shalt  }
0x5b: {  	_ =	shalt  }
0x5c: {  	_ =	shalt  }
0x5d: {  	_ =	shalt  }
0x5e: {  	_ =	shalt  }
0x5f: {  	_ =	shalt  }
0x60: {  	_ =	shalt  }
0x61: {  	_ =	shalt  }
0x62: {  	_ =	shalt  }
0x63: {  	_ =	shalt  }
0x64: {  	_ =	shalt  }
0x65: {  	_ =	shalt  }
0x66: {  	_ =	shalt  }
0x67: {  	_ =	shalt  }
0x68: {  	_ =	shalt  }
0x69: {  	_ =	shalt  }
0x6a: {  	_ =	shalt  }
0x6b: {  	_ =	shalt  }
0x6c: {  	_ =	shalt  }
0x6d: {  	_ =	shalt  }
0x6e: {  	_ =	shalt  }
0x6f: {  	_ =	shalt  }
0x70: {  	_ =	shalt  }
0x71: {  	_ =	shalt  }
0x72: {  	_ =	shalt  }
0x73: {  	_ =	shalt  }
0x74: {  	_ =	shalt  }
0x75: {  	_ =	shalt  }
0x76: {  	_ =	shalt  }
0x77: {  	_ =	shalt  }
0x78: {  	_ =	shalt  }
0x79: {  	_ =	shalt  }
0x7a: {  	_ =	shalt  }
0x7b: {  	_ =	shalt  }
0x7c: {  	_ =	shalt  }
0x7d: {  	_ =	shalt  }
0x7e: {  	_ =	shalt  }
0x7f: {  	_ =	shalt  }
0x80: {  	_ =	shalt  }
0x81: {  	_ =	shalt  }
0x82: {  	_ =	shalt  }
0x83: {  	_ =	shalt  }
0x84: {  	_ =	shalt  }
0x85: {  	_ =	shalt  }
0x86: {  	_ =	shalt  }
0x87: {  	_ =	shalt  }
.Lfunc_end0:
.L_simem_size_0:
called_computation_lowered:
.L_overlay_start_0:
0x88: {  	s2 =	sld [smem:$0x3FD9]  }
0x89: {  	s3 =	sld [smem:$0x3FFE];
	_ =	sdelay $0x1  }
0x8a: {  	s1 =	srdreg.scid  }
0x8b: {  	s0 =	sand.u32 $0x1, s1  }
0x8c: {  	s16 =	sshll.u32 s0, $0xA;
	s2 =	sadd.s32 s3, s2  }
0x8d: {  	s2 =	sadd.s32 s2, s16  }
0x8e: {  	[smem:$0x3FBD] =	sst s2  }
0x8f: {  	_ = 	snop  }
0x90: {  	(tm) =	ssettm $0x1  }
0x91: {  	s17 =	sld [smem:$0x3FFB];
	_ =	sdelay $0x3  }
0x92: {  	_ =	strace s17  }
0x93: {  	s2 =	sld [smem:$0x3FFC];
	_ =	sdelay $0x3  }
0x94: {  	_ =	strace s2  }
0x95: {  	s2 =	sld [smem:$0x3FFD];
	_ =	sdelay $0x3  }
0x96: {  	_ =	strace s2  }
0x97: {  	_ =	strace $0x8FFFFFFF  }
0x98: {  	s18 =	sld [smem:$0x3FDB];
	_ =	sdelay $0x1  }
0x99: {  	s19 =	simm.s32 $_scs_section_size  }
0x9a: {  	s4 =	simm.s32 $_size__tile_overlayer_lowered;
	s5 =	simm.s32 $_tile_overlayer_lowered  }
0x9b: {  	s22 =	simm.s32 $0x1BFF;
	s21 =	sshll.u32 s5, $0x1;
	s2 =	sadd.s32 s19, s18  }
0x9c: {  	s6 =	simm.s32 $0x0;
	s20 =	sshll.u32 s4, $0x1;
	s4 =	sadd.s32 s21, s2  }
0x9d: {  	[timem:s6], [sflag:s22] =	dma.local [hbm:s4], s20  }
0x9e: {  	_ =	swait.ge [sflag:s22], s20  }
0x9f: {  	s3 =	ssub.s32 $0x0, s20;
	[sflag:s22] =	ssyncset.done $0x0  }
0xa0: {  	[sflag:s22] =	ssyncadd.s32 s3;
	_ =	sdelay $0x1  }
0xa1: {  	s23 =	simm.s32 $0x1B8B  }
0xa2: {  	_ =	swait.ge [sflag:s23], $0x1  }
0xa3: {  	[sflag:s23] =	ssyncset.done $0x0  }
0xa4: {  	s25 =	simm.s32 $0x1B8E;
	s24 =	sld [smem:$0x3FFE];
	[sflag:s23] =	ssyncadd.s32 $0xFFFFFFFF  }
0xa5: {  	s26 =	simm.s32 $execute0_lowered;
	[smem:$0x3FD2] =	sst s25  }
0xa6: {  	s4 =	sshll.u32 s26, $0x1;
	_ =	strace $0x80000046;
	[dreg:$0x1] =	wrdreg $0xFFFFFFFF  }
0xa7: {  	s28 =	simm.s32 $_size_execute0_lowered;
	s2 =	sadd.s32 s2, s4;
	[dreg:$0x0] =	wrdreg $0x0  }
0xa8: {  	s4 =	sshll.u32 s28, $0x1;
	[dreg:$0x2] =	wrdreg s2  }
0xa9: {  	[dreg:$0x3] =	wrdreg s4  }
0xaa: {  	[dreg:$0x4] =	wrdreg $0xC0  }
0xab: {  	_ =	task [dreg:s6], $0x5FFFF  }
0xac: {  	[dreg:$0x1] =	wrdreg $0xFFFFFFFF  }
0xad: {  	[dreg:$0x0] =	wrdreg $0x60  }
0xae: {  	[dreg:$0x2] =	wrdreg s24  }
0xaf: {  	[dreg:$0x3] =	wrdreg $0x88000  }
0xb0: {  	[dreg:$0x4] =	wrdreg $0x9  }
0xb1: {  	_ =	task.clear_ibuf [dreg:s6], $0x5FFFF;
	_ =	strace $0x90000046  }
0xb2: {  	s29 =	simm.s32 $0x9;
	_ =	strace $0x80000048  }
0xb3: {  	_ =	swait.ge [sflag:s29], $0x1  }
0xb4: {  	[sflag:s29] =	ssyncadd.s32 $0xFFFFFFFF  }
0xb5: {  	_ =	strace $0x90000048  }
0xb6: {  	_ =	sfence  }
0xb7: {  	s30 =	sld [smem:$0x0];
	_ =	sdelay $0x2  }
0xb8: {  	s31 =	sshll.u32 s1, $0xD;
	s1 =	sshrl.u32 s1, $0x2  }
0xb9: {  	s3 =	sand.u32 $0x4000, s31;
	s1 =	sadd.s32 s1, s30  }
0xba: {  	s0 =	sor.u32 s3, s0;
	s1 =	sshll.u32 s1, $0x11  }
0xbb: {  	s0 =	sor.u32 s1, s0  }
0xbc: {  	s0 =	sadd.s32 $0x8F2B, s0  }
0xbd: {  	[sflag:s0] =	ssyncadd.remote.s32 $0x1  }
0xbe: {  	_ =	sfence.sel $0xFFFF  }
0xbf: {  	[dreg:$0x0] =	wrdreg $0xFFFFFFFF;
	(pc) =	sbr.abs _section_cstart, $3  }
0xc0: {  	[dreg:$0x1] =	wrdreg $0xFFFFFFFF  }
0xc1: {  	_ =	task.clear_ibuf [dreg:s6], $0x2FFFF;
	_ =	strace $0x9FFFFFFF  }
0xc2: {  	(tm) =	ssettm $0x7FFFFFFF  }
0xc3: {  	_ =	shalt  }
tec
execute0_lowered:
.L_overlay_start_1:
0x0: {  	(tag) =	ssettag $0x1  }
0x1: {  	s1 =	srdreg.scid  }
0x2: {  	s0 =	stileid.u32;
	s4 =	rddreg [dreg:$0x0]  }
0x3: {  	s2 =	rddreg [dreg:$0x1];
	s3 =	simm.s32 $0x0;
	s16 =	simm.s32 $0x6800  }
0x4: {  	s17 =	simm.s32 $0x1;
	s18 =	simm.s32 $0x80;
	s19 =	simm.s32 $0x2800  }
0x5: {  	s5 =	sand.u32 $0x1, s1;
	s1 =	rddreg [dreg:$0x2];
	s7 =	smul.u32 $0x50000, s0  }
0x6: {  	s31 =	sshll.u32 s0, $0x1;
	[smem:$0x7FF] =	sst s3;
	s21 =	smul.u32 $0x2800, s0  }
0x7: {  	s6 =	sor.u32 s5, s31;
	s8 =	smul.u32 $0x28000, s5;
	s5 =	ssub.s32 $0x2, s5  }
0x8: {  	_ =	strace $0x80000047;
	s6 =	smul.u32 $0x500, s6;
	s9 =	sshrl.u32 s5, $0x1  }
0x9: {  	s7 =	sshrl.u32 s7, $0x2;
	s8 =	sadd.s32 s8, s4;
	s9 =	ssub.s32 s5, s9  }
0xa: {  	s6 =	sadd.s32 s6, s4;
	s4 =	sadd.s32 s7, s2;
	s20 =	sadd.s32 $0xD600, s8  }
0xb: {  	s5 =	sadd.s32 $0x3600, s6;
	s6 =	smax.u32 s9, $0x1;
	s7 =	sadd.s32 $0x2000, s4  }
0xc: {  	s8 =	sadd.s32 $0x4000, s4;
	s9 =	sadd.s32 $0x6000, s4;
	s10 =	sadd.s32 $0x8000, s4  }
0xd: {  	s11 =	sadd.s32 $0xA000, s4;
	s12 =	sadd.s32 $0xC000, s4;
	s13 =	sadd.s32 $0xE000, s4  }
0xe: {  	v0 =	vimm.f32 $1.000000000e+00;
	v1 =	vimm.f32 $0.0e+00;
	s14 =	sadd.s32 $0x10000, s4;
	s15 =	sadd.s32 $0x12000, s4;
	s20 =	sadd.s32 s21, s20  }
.LBB2_1:
0xf: {  	s21 =	simm.s32 $0x0  }
.LBB2_2:
0x10: {  	p0 =	sne.s32 s21, $0xFE00  }
.Ltmp0:
0x11: {  	_ = 	snop;
	(pc) =	sbr.rel @p0 .LBB2_2-.Ltmp0, $3  }
0x12: {  	_ =	sdelay $0x1  }
0x13: {  	s22 =	sshra.s32 s21, $0x2  }
0x14: {  	s21 =	sadd.s32 $0x200, s21;
	[tilespmem:s22+$0x2800] =	vst v0  }
0x15: {  	s21 =	simm.s32 $0x200;
	s22 =	simm.s32 $0x0  }
.LBB2_4:
0x16: {  	p0 =	sne.s32 s21, $0x7E00;
	[tilespmem:s22+$0x6800] =	vst v1;
	s22 =	smov.u32 s21;
	s21 =	sadd.s32 $0x200, s21  }
.Ltmp1:
0x17: {  	(pc) =	sbr.rel @p0 .LBB2_4-.Ltmp1, $2  }
0x18: {  	_ =	sdelay $0x2  }
0x19: {  	s22 =	sshra.s32 s22, $0x2  }
0x1a: {  	[tilespmem:s22+$0x6800] =	vst v1  }
0x1b: {  	[spmem:s4] =	stream.linear.scatter [tilespmem:s16], [sflag:$0x1], $0x2000, $0x38;
	[tilespmem:$0xB000] =	vst v63  }
0x1c: {  	_ =	swait.ge [sflag:s17], $0x2000  }
0x1d: {  	[sflag:s17] =	ssyncset.done $0x0  }
0x1e: {  	[sflag:s17] =	ssyncadd.s32 $0xFFFFE000  }
0x1f: {  	[spmem:s7] =	stream.linear.scatter [tilespmem:s16], [sflag:$0x1], $0x2000, $0x38;
	[tilespmem:$0xB000] =	vst v63  }
0x20: {  	_ =	swait.ge [sflag:s17], $0x2000  }
0x21: {  	[sflag:s17] =	ssyncset.done $0x0  }
0x22: {  	[sflag:s17] =	ssyncadd.s32 $0xFFFFE000  }
0x23: {  	[spmem:s8] =	stream.linear.scatter [tilespmem:s16], [sflag:$0x1], $0x2000, $0x38;
	[tilespmem:$0xB000] =	vst v63  }
0x24: {  	_ =	swait.ge [sflag:s17], $0x2000  }
0x25: {  	[sflag:s17] =	ssyncset.done $0x0  }
0x26: {  	[sflag:s17] =	ssyncadd.s32 $0xFFFFE000  }
0x27: {  	[spmem:s9] =	stream.linear.scatter [tilespmem:s16], [sflag:$0x1], $0x2000, $0x38;
	[tilespmem:$0xB000] =	vst v63  }
0x28: {  	_ =	swait.ge [sflag:s17], $0x2000  }
0x29: {  	[sflag:s17] =	ssyncset.done $0x0  }
0x2a: {  	[sflag:s17] =	ssyncadd.s32 $0xFFFFE000  }
0x2b: {  	[spmem:s10] =	stream.linear.scatter [tilespmem:s16], [sflag:$0x1], $0x2000, $0x38;
	[tilespmem:$0xB000] =	vst v63  }
0x2c: {  	_ =	swait.ge [sflag:s17], $0x2000  }
0x2d: {  	[sflag:s17] =	ssyncset.done $0x0  }
0x2e: {  	[sflag:s17] =	ssyncadd.s32 $0xFFFFE000  }
0x2f: {  	[spmem:s11] =	stream.linear.scatter [tilespmem:s16], [sflag:$0x1], $0x2000, $0x38;
	[tilespmem:$0xB000] =	vst v63  }
0x30: {  	_ =	swait.ge [sflag:s17], $0x2000  }
0x31: {  	[sflag:s17] =	ssyncset.done $0x0  }
0x32: {  	[sflag:s17] =	ssyncadd.s32 $0xFFFFE000  }
0x33: {  	[spmem:s12] =	stream.linear.scatter [tilespmem:s16], [sflag:$0x1], $0x2000, $0x38;
	[tilespmem:$0xB000] =	vst v63  }
0x34: {  	_ =	swait.ge [sflag:s17], $0x2000  }
0x35: {  	[sflag:s17] =	ssyncset.done $0x0  }
0x36: {  	[sflag:s17] =	ssyncadd.s32 $0xFFFFE000  }
0x37: {  	[spmem:s13] =	stream.linear.scatter [tilespmem:s16], [sflag:$0x1], $0x2000, $0x38;
	[tilespmem:$0xB000] =	vst v63  }
0x38: {  	_ =	swait.ge [sflag:s17], $0x2000  }
0x39: {  	[sflag:s17] =	ssyncset.done $0x0  }
0x3a: {  	[sflag:s17] =	ssyncadd.s32 $0xFFFFE000  }
0x3b: {  	[spmem:s14] =	stream.linear.scatter [tilespmem:s16], [sflag:$0x1], $0x2000, $0x38;
	[tilespmem:$0xB000] =	vst v63  }
0x3c: {  	_ =	swait.ge [sflag:s17], $0x2000  }
0x3d: {  	[sflag:s17] =	ssyncset.done $0x0  }
0x3e: {  	[sflag:s17] =	ssyncadd.s32 $0xFFFFE000  }
0x3f: {  	[spmem:s15] =	stream.linear.scatter [tilespmem:s16], [sflag:$0x1], $0x2000, $0x38;
	[tilespmem:$0xB000] =	vst v63  }
0x40: {  	_ =	swait.ge [sflag:s17], $0x2000  }
0x41: {  	[sflag:s17] =	ssyncset.done $0x0  }
0x42: {  	[sflag:s17] =	ssyncadd.s32 $0xFFFFE000  }
0x43: {  	s21 =	simm.s32 $0x0;
	[bflag:$0x0] =	sbarrier.arrive $0xFFFF  }
0x44: {  	[tilespmem:s21], [sflag:$0x1] =	stream.linear.gather [hbm4b:s5+s21], $0x2780, $0x38;
	[tilespmem:$0xB000] =	vst v63  }
0x45: {  	_ =	swait.ge [sflag:s17], $0x2780  }
0x46: {  	[sflag:s17] =	ssyncset.done $0x0  }
0x47: {  	s31 =	simm.s32 $0x0;
	[sflag:s17] =	ssyncadd.s32 $0xFFFFD880  }
0x48: {  	[spmem:s2] =	stream.indirect.scatter.add.f32 [tilespmem:s19], [sflag:$0x1], $0x10, s31, s18, $0xb8;
	[tilespmem:$0xB000] =	vst v63  }
0x49: {  	_ =	swait.ge [sflag:s17], $0x800  }
0x4a: {  	s21 =	simm.s32 $0x200;
	[sflag:s17] =	ssyncset.done $0x0  }
.LBB2_6:
0x4b: {  	s22 =	sshra.s32 s21, $0x2;
	[sflag:s17] =	ssyncadd.s32 $0xFFFFF800;
	p0 =	sne.s32 s21, $0x9C00  }
0x4c: {  	[spmem:s2] =	stream.indirect.scatter.add.f32 [tilespmem:s19], [sflag:$0x1], $0x10, s22, s18, $0xb8;
	[tilespmem:$0xB000] =	vst v63  }
.Ltmp2:
0x4d: {  	_ = 	snop;
	(pc) =	sbr.rel @p0 .LBB2_6-.Ltmp2, $4  }
0x4e: {  	_ = 	snop  }
0x4f: {  	s21 =	sadd.s32 $0x200, s21  }
0x50: {  	_ =	swait.ge [sflag:s17], $0x800  }
0x51: {  	[sflag:s17] =	ssyncset.done $0x0  }
0x52: {  	[sflag:s17] =	ssyncadd.s32 $0xFFFFF800;
	s3 =	sadd.s32 $0x1, s3  }
0x53: {  	s21 =	sshll.u32 s0, $0x6;
	s22 =	sshrl.u32 s4, $0x3;
	p0 =	sne.s32 s3, s6  }
.Ltmp3:
0x54: {  	[bflag:$0x0] =	sbarrier.arrive $0xFFFF;
	s21 =	sor.u32 $0x1C01, s21;
	(pc) =	sbr.rel @p0 .LBB2_1-.Ltmp3, $4  }
0x55: {  	[hbm:s20], [sflag:s21] =	dma.local [spmem:s22], $0x2800  }
0x56: {  	_ =	swait.ge [sflag:s17], $0x2800  }
0x57: {  	[sflag:s17] =	ssyncset.done $0x0  }
0x58: {  	[sflag:s17] =	ssyncadd.s32 $0xFFFFD800  }
0x59: {  	_ =	sfence.sel $0x180000  }
0x5a: {  	[bflag:$0x0] =	sbarrier.arrive $0xFFFF  }
0x5b: {  	p0 =	sne.s32 s0, $0x0;
	_ =	strace $0x90000047  }
0x5c: {  	s0 =	sadd.s32 @!p0 $0x100000, s1;
	[bflag:$0x2] =	sbarrier.arrive $0xFFFF  }
0x5d: {  	[sflag:s0] =	ssyncadd.tile.s32 @!p0 $0x1;
	_ =	shalt  }
.Lfunc_end2:
_tile_overlayer_lowered:
.L_overlay_start_2:
0x5e: {  	(tag) =	ssettag $0x2  }
0x5f: {  	s0 =	rddreg [dreg:$0x0];
	s2 =	stileid.u32  }
0x60: {  	s1 =	rddreg [dreg:$0x1];
	p0 =	sne.s32 s2, $0x0  }
0x61: {  	s3 =	rddreg [dreg:$0x2];
	[bflag:$0x3] =	sbarrier.arrive $0xFFFF;
	s2 =	simm.s32 @!p0 $0x1C01  }
0x62: {  	[timem:s3], [sflag:s2] =	dma.local @!p0 [hbm:s0], s1  }
0x63: {  	s0 =	simm.s32 @!p0 $0x1  }
0x64: {  	_ =	swait.ge @!p0 [sflag:s0], s1  }
0x65: {  	s1 =	ssub.s32 @!p0 $0x0, s1;
	[sflag:s0] =	ssyncset.done @!p0 $0x0  }
0x66: {  	[sflag:s0] =	ssyncadd.s32 @!p0 s1  }
0x67: {  	[bflag:$0x3] =	sbarrier.arrive $0xFFFF  }
0x68: {  	_ =	shalt  }

// kernel: kernel.13.cloned.1.call-start
scs
__scs_entry_jumppad:
0x0: {  	(pc) =	sbr.rel $0x88, $3  }
0x1: {  	(tag) =	ssettag $0x0;
	lr =	simm.s32 $0x1  }
0x2: {  	[smem:$0x3F96] =	sst lr;
	_ =	strace $0xD0000000  }
0x3: {  	_ = 	snop  }
0x4: {  	_ = 	snop  }
0x5: {  	_ = 	snop  }
0x6: {  	_ = 	snop  }
0x7: {  	_ = 	snop  }
__scs_overlays_trampoline_lowered:
0x8: {  	[smem:$0x3FA5] =	sst s0  }
0x9: {  	[smem:$0x3FA6] =	sst s1  }
0xa: {  	[smem:$0x3FA7] =	sst s2  }
0xb: {  	[smem:$0x3FA8] =	sst s3  }
0xc: {  	[smem:$0x3FA9] =	sst s4  }
0xd: {  	[smem:$0x3FAA] =	sst s5  }
0xe: {  	[smem:$0x3FAB] =	sst s6  }
0xf: {  	[smem:$0x3FAC] =	sst s7  }
0x10: {  	[smem:$0x3FAD] =	sst s8  }
0x11: {  	[smem:$0x3FAE] =	sst s9;
	s0 =	simm.s32 @!p0 $0x0  }
0x12: {  	s1 =	sld [smem:$0x3F94];
	s0 =	simm.s32 @p0 $0x1  }
0x13: {  	[smem:$0x3FAF] =	sst s0;
	s0 =	simm.s32 @!p1 $0x0  }
0x14: {  	s2 =	sld [smem:$0x3F93];
	s0 =	simm.s32 @p1 $0x1  }
0x15: {  	[smem:$0x3FB0] =	sst s0;
	s0 =	simm.s32 @!p2 $0x0  }
0x16: {  	s3 =	sld [smem:$0x3FDB];
	s0 =	simm.s32 @p2 $0x1  }
0x17: {  	s4 =	simm.s32 $0x1BF5;
	[smem:$0x3FB2] =	sst s0  }
0x18: {  	s0 =	sld [smem:$0x3F95];
	_ =	swait.ge [sflag:s4], $0x0  }
0x19: {  	s7 =	sld [smem:$0x3F96]  }
0x1a: {  	s8 =	sadd.s32 $0xFFFFE003, lr  }
0x1b: {  	s9 =	sadd.s32 $0xFFFFFEF7, lr;
	s5 =	simm.s32 $0xFFFFFFFF;
	p2 =	slt.u32 s8, $0xFFFFF086  }
0x1c: {  	p1 =	slt.u32 s9, $0xF7A;
	s5 =	simm.s32 @!p2 $0x0  }
0x1d: {  	s5 =	simm.s32 @p1 $0x1;
	p0 =	seq.s32 s7, s2  }
0x1e: {  	s7 =	smul.u32 @!p0 $0xF7A, s2;
	p2 =	seq.s32 @!p0 s5, $0x0  }
0x1f: {  	s9 =	smul.u32 $0xF7A, s1;
	s8 =	simm.s32 @!p0 $0x1BF5;
	p2 =	por !p2, p0  }
0x20: {  	[sflag:s8] =	ssyncset.s32 @!p0 $0xFFFFF086;
	s6 =	sadd.s32 @!p0 s3, s7;
	s7 =	simm.s32 @!p0 $0x108  }
0x21: {  	s3 =	sadd.s32 s3, s9;
	s6 =	sadd.s32 @!p0 $0x88, s6;
	s7 =	simm.s32 @p2 $0x1082  }
0x22: {  	[simem:s7], [sflag:s8] =	dma.local @!p0 [hbm:s6], $0xF7A  }
0x23: {  	s9 =	sor.u32 $0xD0000000, s2;
	s6 =	simm.s32 $0x108;
	_ =	swait.ge @!p0 [sflag:s8], $0x0  }
0x24: {  	s3 =	sadd.s32 $0x88, s3;
	s6 =	simm.s32 @!p1 $0x1082;
	[sflag:s4] =	ssyncset.s32 $0xFFFFF086  }
0x25: {  	[simem:s6], [sflag:s4] =	dma.local [hbm:s3], $0xF7A  }
0x26: {  	[smem:$0x3F96] =	sst s1;
	(tag) =	ssettag s2;
	_ =	strace s9  }
0x27: {  	s1 =	sld [smem:$0x3FA6]  }
0x28: {  	s2 =	sld [smem:$0x3FA7]  }
0x29: {  	s4 =	sld [smem:$0x3FA9]  }
0x2a: {  	p0 =	seq.s32 s5, $0x0;
	s5 =	sld [smem:$0x3FAA]  }
0x2b: {  	s6 =	sld [smem:$0x3FAB]  }
0x2c: {  	s7 =	sld [smem:$0x3FAC]  }
0x2d: {  	s3 =	simm.s32 $0x108;
	s8 =	sld [smem:$0x3FAD]  }
0x2e: {  	s3 =	simm.s32 @!p0 $0x1082;
	s9 =	sld [smem:$0x3FAE]  }
0x2f: {  	lr =	sadd.s32 s0, s3;
	s0 =	sld [smem:$0x3FA5]  }
0x30: {  	s3 =	sld [smem:$0x3FA8]  }
0x31: {  	[smem:$0x3FB1] =	sst s10  }
0x32: {  	s10 =	sld [smem:$0x3FAF];
	_ =	sdelay $0x3  }
0x33: {  	p0 =	seq.s32 s10, $0x1;
	s10 =	sld [smem:$0x3FB1];
	_ =	sdelay $0x3  }
0x34: {  	[smem:$0x3FB1] =	sst s10  }
0x35: {  	s10 =	sld [smem:$0x3FB0];
	_ =	sdelay $0x3  }
0x36: {  	p1 =	seq.s32 s10, $0x1;
	s10 =	sld [smem:$0x3FB1];
	_ =	sdelay $0x3  }
0x37: {  	[smem:$0x3FB1] =	sst s10  }
0x38: {  	s10 =	sld [smem:$0x3FB2]  }
0x39: {  	_ = 	snop;
	(pc) =	sbr.ind lr, $3  }
0x3a: {  	_ = 	snop  }
0x3b: {  	_ = 	snop  }
0x3c: {  	p2 =	seq.s32 s10, $0x1;
	s10 =	sld [smem:$0x3FB1]  }
0x3d: {  	_ =	shalt  }
0x3e: {  	_ =	shalt  }
0x3f: {  	_ =	shalt  }
0x40: {  	_ =	shalt  }
0x41: {  	_ =	shalt  }
0x42: {  	_ =	shalt  }
0x43: {  	_ =	shalt  }
0x44: {  	_ =	shalt  }
0x45: {  	_ =	shalt  }
0x46: {  	_ =	shalt  }
0x47: {  	_ =	shalt  }
0x48: {  	_ =	shalt  }
0x49: {  	_ =	shalt  }
0x4a: {  	_ =	shalt  }
0x4b: {  	_ =	shalt  }
0x4c: {  	_ =	shalt  }
0x4d: {  	_ =	shalt  }
0x4e: {  	_ =	shalt  }
0x4f: {  	_ =	shalt  }
0x50: {  	_ =	shalt  }
0x51: {  	_ =	shalt  }
0x52: {  	_ =	shalt  }
0x53: {  	_ =	shalt  }
0x54: {  	_ =	shalt  }
0x55: {  	_ =	shalt  }
0x56: {  	_ =	shalt  }
0x57: {  	_ =	shalt  }
0x58: {  	_ =	shalt  }
0x59: {  	_ =	shalt  }
0x5a: {  	_ =	shalt  }
0x5b: {  	_ =	shalt  }
0x5c: {  	_ =	shalt  }
0x5d: {  	_ =	shalt  }
0x5e: {  	_ =	shalt  }
0x5f: {  	_ =	shalt  }
0x60: {  	_ =	shalt  }
0x61: {  	_ =	shalt  }
0x62: {  	_ =	shalt  }
0x63: {  	_ =	shalt  }
0x64: {  	_ =	shalt  }
0x65: {  	_ =	shalt  }
0x66: {  	_ =	shalt  }
0x67: {  	_ =	shalt  }
0x68: {  	_ =	shalt  }
0x69: {  	_ =	shalt  }
0x6a: {  	_ =	shalt  }
0x6b: {  	_ =	shalt  }
0x6c: {  	_ =	shalt  }
0x6d: {  	_ =	shalt  }
0x6e: {  	_ =	shalt  }
0x6f: {  	_ =	shalt  }
0x70: {  	_ =	shalt  }
0x71: {  	_ =	shalt  }
0x72: {  	_ =	shalt  }
0x73: {  	_ =	shalt  }
0x74: {  	_ =	shalt  }
0x75: {  	_ =	shalt  }
0x76: {  	_ =	shalt  }
0x77: {  	_ =	shalt  }
0x78: {  	_ =	shalt  }
0x79: {  	_ =	shalt  }
0x7a: {  	_ =	shalt  }
0x7b: {  	_ =	shalt  }
0x7c: {  	_ =	shalt  }
0x7d: {  	_ =	shalt  }
0x7e: {  	_ =	shalt  }
0x7f: {  	_ =	shalt  }
0x80: {  	_ =	shalt  }
0x81: {  	_ =	shalt  }
0x82: {  	_ =	shalt  }
0x83: {  	_ =	shalt  }
0x84: {  	_ =	shalt  }
0x85: {  	_ =	shalt  }
0x86: {  	_ =	shalt  }
0x87: {  	_ =	shalt  }
.Lfunc_end0:
.L_simem_size_0:
called_computation.1_lowered:
.L_overlay_start_0:
0x88: {  	s2 =	sld [smem:$0x3FD9]  }
0x89: {  	s3 =	sld [smem:$0x3FFE];
	_ =	sdelay $0x1  }
0x8a: {  	s1 =	srdreg.scid  }
0x8b: {  	s0 =	sand.u32 $0x1, s1  }
0x8c: {  	s16 =	sshll.u32 s0, $0xA;
	s2 =	sadd.s32 s3, s2  }
0x8d: {  	s2 =	sadd.s32 s2, s16  }
0x8e: {  	[smem:$0x3FBD] =	sst s2  }
0x8f: {  	_ = 	snop  }
0x90: {  	(tm) =	ssettm $0x1  }
0x91: {  	s17 =	sld [smem:$0x3FFB];
	_ =	sdelay $0x3  }
0x92: {  	_ =	strace s17  }
0x93: {  	s2 =	sld [smem:$0x3FFC];
	_ =	sdelay $0x3  }
0x94: {  	_ =	strace s2  }
0x95: {  	s2 =	sld [smem:$0x3FFD];
	_ =	sdelay $0x3  }
0x96: {  	_ =	strace s2  }
0x97: {  	_ =	strace $0x8FFFFFFF  }
0x98: {  	s18 =	sld [smem:$0x3FDB];
	_ =	sdelay $0x1  }
0x99: {  	s19 =	simm.s32 $_scs_section_size  }
0x9a: {  	s4 =	simm.s32 $_size__tile_overlayer_lowered;
	s5 =	simm.s32 $_tile_overlayer_lowered  }
0x9b: {  	s22 =	simm.s32 $0x1BFF;
	s21 =	sshll.u32 s5, $0x1;
	s2 =	sadd.s32 s19, s18  }
0x9c: {  	s6 =	simm.s32 $0x0;
	s20 =	sshll.u32 s4, $0x1;
	s4 =	sadd.s32 s21, s2  }
0x9d: {  	[timem:s6], [sflag:s22] =	dma.local [hbm:s4], s20  }
0x9e: {  	_ =	swait.ge [sflag:s22], s20  }
0x9f: {  	s3 =	ssub.s32 $0x0, s20;
	[sflag:s22] =	ssyncset.done $0x0  }
0xa0: {  	[sflag:s22] =	ssyncadd.s32 s3;
	_ =	sdelay $0x1  }
0xa1: {  	s23 =	simm.s32 $0x1B8B  }
0xa2: {  	_ =	swait.ge [sflag:s23], $0x1  }
0xa3: {  	[sflag:s23] =	ssyncset.done $0x0  }
0xa4: {  	s25 =	simm.s32 $0x1B8E;
	s24 =	sld [smem:$0x3FFE];
	[sflag:s23] =	ssyncadd.s32 $0xFFFFFFFF  }
0xa5: {  	s26 =	simm.s32 $execute0_lowered;
	[smem:$0x3FD2] =	sst s25  }
0xa6: {  	s4 =	sshll.u32 s26, $0x1;
	_ =	strace $0x80000049;
	[dreg:$0x1] =	wrdreg $0xFFFFFFFF  }
0xa7: {  	s28 =	simm.s32 $_size_execute0_lowered;
	s2 =	sadd.s32 s2, s4;
	[dreg:$0x0] =	wrdreg $0x0  }
0xa8: {  	s4 =	sshll.u32 s28, $0x1;
	[dreg:$0x2] =	wrdreg s2  }
0xa9: {  	[dreg:$0x3] =	wrdreg s4  }
0xaa: {  	[dreg:$0x4] =	wrdreg $0xC0  }
0xab: {  	_ =	task [dreg:s6], $0x5FFFF  }
0xac: {  	[dreg:$0x1] =	wrdreg $0xFFFFFFFF  }
0xad: {  	[dreg:$0x0] =	wrdreg $0x60  }
0xae: {  	[dreg:$0x2] =	wrdreg s24  }
0xaf: {  	[dreg:$0x3] =	wrdreg $0xB0000  }
0xb0: {  	[dreg:$0x4] =	wrdreg $0x9  }
0xb1: {  	_ =	task.clear_ibuf [dreg:s6], $0x5FFFF;
	_ =	strace $0x90000049  }
0xb2: {  	s29 =	simm.s32 $0x9;
	_ =	strace $0x8000004B  }
0xb3: {  	_ =	swait.ge [sflag:s29], $0x1  }
0xb4: {  	[sflag:s29] =	ssyncadd.s32 $0xFFFFFFFF  }
0xb5: {  	_ =	strace $0x9000004B  }
0xb6: {  	_ =	sfence  }
0xb7: {  	s30 =	sld [smem:$0x0];
	_ =	sdelay $0x2  }
0xb8: {  	s31 =	sshll.u32 s1, $0xD;
	s1 =	sshrl.u32 s1, $0x2  }
0xb9: {  	s3 =	sand.u32 $0x4000, s31;
	s1 =	sadd.s32 s1, s30  }
0xba: {  	s0 =	sor.u32 s3, s0;
	s1 =	sshll.u32 s1, $0x11  }
0xbb: {  	s0 =	sor.u32 s1, s0  }
0xbc: {  	s0 =	sadd.s32 $0x8F2B, s0  }
0xbd: {  	[sflag:s0] =	ssyncadd.remote.s32 $0x1  }
0xbe: {  	_ =	sfence.sel $0xFFFF  }
0xbf: {  	[dreg:$0x0] =	wrdreg $0xFFFFFFFF;
	(pc) =	sbr.abs _section_cstart, $3  }
0xc0: {  	[dreg:$0x1] =	wrdreg $0xFFFFFFFF  }
0xc1: {  	_ =	task.clear_ibuf [dreg:s6], $0x2FFFF;
	_ =	strace $0x9FFFFFFF  }
0xc2: {  	(tm) =	ssettm $0x7FFFFFFF  }
0xc3: {  	_ =	shalt  }
tec
execute0_lowered:
.L_overlay_start_1:
0x0: {  	(tag) =	ssettag $0x1  }
0x1: {  	s5 =	rddreg [dreg:$0x0];
	s1 =	srdreg.scid  }
0x2: {  	s0 =	stileid.u32;
	s2 =	rddreg [dreg:$0x1]  }
0x3: {  	s3 =	simm.s32 $0x0;
	s18 =	simm.s32 $0x9000;
	s19 =	simm.s32 $0x2  }
0x4: {  	s20 =	simm.s32 $0x2800;
	s21 =	simm.s32 $0x80;
	s22 =	simm.s32 $0x5000  }
0x5: {  	s23 =	simm.s32 $0x1;
	s6 =	sand.u32 $0x1, s1;
	s8 =	smul.u32 $0x50000, s0  }
0x6: {  	s4 =	sshll.u32 s0, $0x1;
	s1 =	rddreg [dreg:$0x2];
	s25 =	smul.u32 $0x2800, s0  }
0x7: {  	[smem:$0x7FF] =	sst s3;
	s4 =	sor.u32 s6, s4;
	s9 =	smul.u32 $0x28000, s6  }
0x8: {  	_ =	strace $0x8000004A;
	s6 =	ssub.s32 $0x2, s6;
	s7 =	smul.u32 $0x500, s4  }
0x9: {  	s4 =	sadd.s32 $0xD600, s5;
	s10 =	sshrl.u32 s6, $0x1;
	s8 =	sshrl.u32 s8, $0x2  }
0xa: {  	s9 =	sadd.s32 s9, s5;
	s10 =	ssub.s32 s6, s10;
	s7 =	sadd.s32 s7, s5  }
0xb: {  	s5 =	sadd.s32 s8, s2;
	s24 =	sadd.s32 $0x67600, s9;
	s8 =	smax.u32 s10, $0x1  }
0xc: {  	s6 =	sadd.s32 $0x5D600, s7;
	s7 =	sadd.s32 $0x3600, s7;
	s9 =	sadd.s32 $0x2000, s5  }
0xd: {  	s10 =	sadd.s32 $0x4000, s5;
	s11 =	sadd.s32 $0x6000, s5;
	s12 =	sadd.s32 $0x8000, s5  }
0xe: {  	s13 =	sadd.s32 $0xA000, s5;
	s14 =	sadd.s32 $0xC000, s5;
	s15 =	sadd.s32 $0xE000, s5  }
0xf: {  	v0 =	vimm.f32 $0.0e+00;
	s16 =	sadd.s32 $0x10000, s5;
	s17 =	sadd.s32 $0x12000, s5;
	s24 =	sadd.s32 s25, s24  }
.LBB2_1:
0x10: {  	s25 =	simm.s32 $0x0;
	s26 =	simm.s32 $0x200  }
.LBB2_2:
0x11: {  	p0 =	sne.s32 s26, $0x7E00;
	[tilespmem:s25+$0x9070] =	vst v0  }
0x12: {  	[tilespmem:s25+$0x9000] =	vst v0  }
0x13: {  	[tilespmem:s25+$0x9010] =	vst v0  }
.Ltmp0:
0x14: {  	[tilespmem:s25+$0x9020] =	vst v0;
	(pc) =	sbr.rel @p0 .LBB2_2-.Ltmp0, $4  }
0x15: {  	[tilespmem:s25+$0x9030] =	vst v0  }
0x16: {  	[tilespmem:s25+$0x9040] =	vst v0  }
0x17: {  	[tilespmem:s25+$0x9050] =	vst v0  }
0x18: {  	[tilespmem:s25+$0x9060] =	vst v0;
	s25 =	sshra.s32 s26, $0x2;
	s26 =	sadd.s32 $0x200, s26  }
0x19: {  	[tilespmem:s25+$0x9070] =	vst v0  }
0x1a: {  	[tilespmem:s25+$0x9000] =	vst v0  }
0x1b: {  	[tilespmem:s25+$0x9010] =	vst v0  }
0x1c: {  	[tilespmem:s25+$0x9020] =	vst v0  }
0x1d: {  	[tilespmem:s25+$0x9030] =	vst v0  }
0x1e: {  	[tilespmem:s25+$0x9040] =	vst v0  }
0x1f: {  	[tilespmem:s25+$0x9050] =	vst v0  }
0x20: {  	[tilespmem:s25+$0x9060] =	vst v0  }
0x21: {  	[spmem:s5] =	stream.linear.scatter [tilespmem:s18], [sflag:$0x2], $0x2000, $0x38;
	[tilespmem:$0x1F000] =	vst v63  }
0x22: {  	_ =	swait.ge [sflag:s19], $0x2000  }
0x23: {  	[sflag:s19] =	ssyncset.done $0x0  }
0x24: {  	[sflag:s19] =	ssyncadd.s32 $0xFFFFE000  }
0x25: {  	[spmem:s9] =	stream.linear.scatter [tilespmem:s18], [sflag:$0x2], $0x2000, $0x38;
	[tilespmem:$0x1F000] =	vst v63  }
0x26: {  	_ =	swait.ge [sflag:s19], $0x2000  }
0x27: {  	[sflag:s19] =	ssyncset.done $0x0  }
0x28: {  	[sflag:s19] =	ssyncadd.s32 $0xFFFFE000  }
0x29: {  	[spmem:s10] =	stream.linear.scatter [tilespmem:s18], [sflag:$0x2], $0x2000, $0x38;
	[tilespmem:$0x1F000] =	vst v63  }
0x2a: {  	_ =	swait.ge [sflag:s19], $0x2000  }
0x2b: {  	[sflag:s19] =	ssyncset.done $0x0  }
0x2c: {  	[sflag:s19] =	ssyncadd.s32 $0xFFFFE000  }
0x2d: {  	[spmem:s11] =	stream.linear.scatter [tilespmem:s18], [sflag:$0x2], $0x2000, $0x38;
	[tilespmem:$0x1F000] =	vst v63  }
0x2e: {  	_ =	swait.ge [sflag:s19], $0x2000  }
0x2f: {  	[sflag:s19] =	ssyncset.done $0x0  }
0x30: {  	[sflag:s19] =	ssyncadd.s32 $0xFFFFE000  }
0x31: {  	[spmem:s12] =	stream.linear.scatter [tilespmem:s18], [sflag:$0x2], $0x2000, $0x38;
	[tilespmem:$0x1F000] =	vst v63  }
0x32: {  	_ =	swait.ge [sflag:s19], $0x2000  }
0x33: {  	[sflag:s19] =	ssyncset.done $0x0  }
0x34: {  	[sflag:s19] =	ssyncadd.s32 $0xFFFFE000  }
0x35: {  	[spmem:s13] =	stream.linear.scatter [tilespmem:s18], [sflag:$0x2], $0x2000, $0x38;
	[tilespmem:$0x1F000] =	vst v63  }
0x36: {  	_ =	swait.ge [sflag:s19], $0x2000  }
0x37: {  	[sflag:s19] =	ssyncset.done $0x0  }
0x38: {  	[sflag:s19] =	ssyncadd.s32 $0xFFFFE000  }
0x39: {  	[spmem:s14] =	stream.linear.scatter [tilespmem:s18], [sflag:$0x2], $0x2000, $0x38;
	[tilespmem:$0x1F000] =	vst v63  }
0x3a: {  	_ =	swait.ge [sflag:s19], $0x2000  }
0x3b: {  	[sflag:s19] =	ssyncset.done $0x0  }
0x3c: {  	[sflag:s19] =	ssyncadd.s32 $0xFFFFE000  }
0x3d: {  	[spmem:s15] =	stream.linear.scatter [tilespmem:s18], [sflag:$0x2], $0x2000, $0x38;
	[tilespmem:$0x1F000] =	vst v63  }
0x3e: {  	_ =	swait.ge [sflag:s19], $0x2000  }
0x3f: {  	[sflag:s19] =	ssyncset.done $0x0  }
0x40: {  	[sflag:s19] =	ssyncadd.s32 $0xFFFFE000  }
0x41: {  	[spmem:s16] =	stream.linear.scatter [tilespmem:s18], [sflag:$0x2], $0x2000, $0x38;
	[tilespmem:$0x1F000] =	vst v63  }
0x42: {  	_ =	swait.ge [sflag:s19], $0x2000  }
0x43: {  	[sflag:s19] =	ssyncset.done $0x0  }
0x44: {  	[sflag:s19] =	ssyncadd.s32 $0xFFFFE000  }
0x45: {  	[spmem:s17] =	stream.linear.scatter [tilespmem:s18], [sflag:$0x2], $0x2000, $0x38;
	[tilespmem:$0x1F000] =	vst v63  }
0x46: {  	_ =	swait.ge [sflag:s19], $0x2000  }
0x47: {  	[sflag:s19] =	ssyncset.done $0x0  }
0x48: {  	[sflag:s19] =	ssyncadd.s32 $0xFFFFE000  }
0x49: {  	s29 =	simm.s32 $0x0;
	[bflag:$0x0] =	sbarrier.arrive $0xFFFF  }
0x4a: {  	[tilespmem:s29], [sflag:$0x2] =	stream.linear.gather [hbm4b:s6+s29], $0x2780, $0x38;
	[tilespmem:$0x1F000] =	vst v63  }
0x4b: {  	_ =	swait.ge [sflag:s19], $0x2780  }
0x4c: {  	[sflag:s19] =	ssyncset.done $0x0  }
0x4d: {  	[sflag:s19] =	ssyncadd.s32 $0xFFFFD880  }
0x4e: {  	[tilespmem:s20], [sflag:$0x2] =	stream.linear.gather [hbm4b:s7+s29], $0x2780, $0x38;
	[tilespmem:$0x1F000] =	vst v63  }
0x4f: {  	_ =	swait.ge [sflag:s19], $0x2780  }
0x50: {  	[sflag:s19] =	ssyncset.done $0x0  }
0x51: {  	s30 =	simm.s32 $0x0;
	[sflag:s19] =	ssyncadd.s32 $0xFFFFD880  }
0x52: {  	[tilespmem:s22], [sflag:$0x1] =	stream.indirect.gather [hbm4b:s4+s21], $0x80, s30, s21, $0xb8;
	[tilespmem:$0x1F000] =	vst v63  }
0x53: {  	_ =	swait.ge [sflag:s23], $0x4000  }
0x54: {  	[sflag:s23] =	ssyncset.done $0x0  }
0x55: {  	s31 =	simm.s32 $0x2800;
	[sflag:s23] =	ssyncadd.s32 $0xFFFFC000  }
0x56: {  	[spmem:s2] =	stream.indirect.scatter.add.f32 [tilespmem:s22], [sflag:$0x2], $0x80, s31, s21, $0xb8;
	[tilespmem:$0x1F000] =	vst v63  }
0x57: {  	_ =	swait.ge [sflag:s19], $0x4000  }
0x58: {  	s25 =	simm.s32 $0x200;
	s26 =	simm.s32 $0x400;
	[sflag:s19] =	ssyncset.done $0x0  }
.LBB2_4:
0x59: {  	s28 =	sshra.s32 s25, $0x2  }
0x5a: {  	[sflag:s19] =	ssyncadd.s32 $0xFFFFC000;
	s25 =	smov.u32 s26;
	s29 =	sadd.s32 $0x200, s26  }
0x5b: {  	[tilespmem:s22], [sflag:$0x1] =	stream.indirect.gather [hbm4b:s4+s21], $0x80, s28, s21, $0xb8;
	[tilespmem:$0x1F000] =	vst v63  }
0x5c: {  	p0 =	sne.s32 s26, $0x9C00;
	_ =	swait.ge [sflag:s23], $0x4000  }
.Ltmp1:
0x5d: {  	[sflag:s23] =	ssyncset.done $0x0;
	(pc) =	sbr.rel @p0 .LBB2_4-.Ltmp1, $4  }
0x5e: {  	s26 =	sadd.s32 $0x2800, s28;
	[sflag:s23] =	ssyncadd.s32 $0xFFFFC000  }
0x5f: {  	[spmem:s2] =	stream.indirect.scatter.add.f32 [tilespmem:s22], [sflag:$0x2], $0x80, s26, s21, $0xb8;
	[tilespmem:$0x1F000] =	vst v63  }
0x60: {  	_ =	swait.ge [sflag:s19], $0x4000  }
0x61: {  	s26 =	smov.u32 s29;
	[sflag:s19] =	ssyncset.done $0x0  }
0x62: {  	s25 =	sshra.s32 s25, $0x2;
	[sflag:s19] =	ssyncadd.s32 $0xFFFFC000  }
0x63: {  	[tilespmem:s22], [sflag:$0x1] =	stream.indirect.gather [hbm4b:s4+s21], $0x80, s25, s21, $0xb8;
	[tilespmem:$0x1F000] =	vst v63  }
0x64: {  	_ =	swait.ge [sflag:s23], $0x4000  }
0x65: {  	[sflag:s23] =	ssyncset.done $0x0  }
0x66: {  	s25 =	sadd.s32 $0x2800, s25;
	[sflag:s23] =	ssyncadd.s32 $0xFFFFC000  }
0x67: {  	[spmem:s2] =	stream.indirect.scatter.add.f32 [tilespmem:s22], [sflag:$0x2], $0x80, s25, s21, $0xb8;
	[tilespmem:$0x1F000] =	vst v63  }
0x68: {  	_ =	swait.ge [sflag:s19], $0x4000  }
0x69: {  	s31 =	sshll.u32 s0, $0x6;
	s3 =	sadd.s32 $0x1, s3;
	[sflag:s19] =	ssyncset.done $0x0  }
0x6a: {  	s26 =	sshrl.u32 s5, $0x3;
	p0 =	sne.s32 s3, s8;
	[sflag:s19] =	ssyncadd.s32 $0xFFFFC000  }
.Ltmp2:
0x6b: {  	s25 =	sor.u32 $0x1C02, s31;
	[bflag:$0x0] =	sbarrier.arrive $0xFFFF;
	(pc) =	sbr.rel @p0 .LBB2_1-.Ltmp2, $4  }
0x6c: {  	[hbm:s24], [sflag:s25] =	dma.local [spmem:s26], $0x2800  }
0x6d: {  	_ =	swait.ge [sflag:s19], $0x2800  }
0x6e: {  	[sflag:s19] =	ssyncset.done $0x0  }
0x6f: {  	[sflag:s19] =	ssyncadd.s32 $0xFFFFD800  }
0x70: {  	_ =	sfence.sel $0x180000  }
0x71: {  	[bflag:$0x0] =	sbarrier.arrive $0xFFFF  }
0x72: {  	p0 =	sne.s32 s0, $0x0;
	_ =	strace $0x9000004A  }
0x73: {  	s0 =	sadd.s32 @!p0 $0x100000, s1;
	[bflag:$0x2] =	sbarrier.arrive $0xFFFF  }
0x74: {  	[sflag:s0] =	ssyncadd.tile.s32 @!p0 $0x1;
	_ =	shalt  }
.Lfunc_end2:
_tile_overlayer_lowered:
.L_overlay_start_2:
0x75: {  	(tag) =	ssettag $0x2  }
0x76: {  	s0 =	rddreg [dreg:$0x0];
	s2 =	stileid.u32  }
0x77: {  	s1 =	rddreg [dreg:$0x1];
	p0 =	sne.s32 s2, $0x0  }
0x78: {  	s3 =	rddreg [dreg:$0x2];
	[bflag:$0x3] =	sbarrier.arrive $0xFFFF;
	s2 =	simm.s32 @!p0 $0x1C02  }
0x79: {  	[timem:s3], [sflag:s2] =	dma.local @!p0 [hbm:s0], s1  }
0x7a: {  	s0 =	simm.s32 @!p0 $0x2  }
0x7b: {  	_ =	swait.ge @!p0 [sflag:s0], s1  }
0x7c: {  	s1 =	ssub.s32 @!p0 $0x0, s1;
	[sflag:s0] =	ssyncset.done @!p0 $0x0  }
0x7d: {  	[sflag:s0] =	ssyncadd.s32 @!p0 s1  }
0x7e: {  	[bflag:$0x3] =	sbarrier.arrive $0xFFFF  }
0x7f: {  	_ =	shalt  }

// kernel: kernel.16.cloned.1.call-start
scs
__scs_entry_jumppad:
0x0: {  	(pc) =	sbr.rel $0x88, $3  }
0x1: {  	(tag) =	ssettag $0x0;
	lr =	simm.s32 $0x1  }
0x2: {  	[smem:$0x3F96] =	sst lr;
	_ =	strace $0xD0000000  }
0x3: {  	_ = 	snop  }
0x4: {  	_ = 	snop  }
0x5: {  	_ = 	snop  }
0x6: {  	_ = 	snop  }
0x7: {  	_ = 	snop  }
__scs_overlays_trampoline_lowered:
0x8: {  	[smem:$0x3FA5] =	sst s0  }
0x9: {  	[smem:$0x3FA6] =	sst s1  }
0xa: {  	[smem:$0x3FA7] =	sst s2  }
0xb: {  	[smem:$0x3FA8] =	sst s3  }
0xc: {  	[smem:$0x3FA9] =	sst s4  }
0xd: {  	[smem:$0x3FAA] =	sst s5  }
0xe: {  	[smem:$0x3FAB] =	sst s6  }
0xf: {  	[smem:$0x3FAC] =	sst s7  }
0x10: {  	[smem:$0x3FAD] =	sst s8  }
0x11: {  	[smem:$0x3FAE] =	sst s9;
	s0 =	simm.s32 @!p0 $0x0  }
0x12: {  	s1 =	sld [smem:$0x3F94];
	s0 =	simm.s32 @p0 $0x1  }
0x13: {  	[smem:$0x3FAF] =	sst s0;
	s0 =	simm.s32 @!p1 $0x0  }
0x14: {  	s2 =	sld [smem:$0x3F93];
	s0 =	simm.s32 @p1 $0x1  }
0x15: {  	[smem:$0x3FB0] =	sst s0;
	s0 =	simm.s32 @!p2 $0x0  }
0x16: {  	s3 =	sld [smem:$0x3FDB];
	s0 =	simm.s32 @p2 $0x1  }
0x17: {  	s4 =	simm.s32 $0x1BF5;
	[smem:$0x3FB2] =	sst s0  }
0x18: {  	s0 =	sld [smem:$0x3F95];
	_ =	swait.ge [sflag:s4], $0x0  }
0x19: {  	s7 =	sld [smem:$0x3F96]  }
0x1a: {  	s8 =	sadd.s32 $0xFFFFE003, lr  }
0x1b: {  	s9 =	sadd.s32 $0xFFFFFEF7, lr;
	s5 =	simm.s32 $0xFFFFFFFF;
	p2 =	slt.u32 s8, $0xFFFFF086  }
0x1c: {  	p1 =	slt.u32 s9, $0xF7A;
	s5 =	simm.s32 @!p2 $0x0  }
0x1d: {  	s5 =	simm.s32 @p1 $0x1;
	p0 =	seq.s32 s7, s2  }
0x1e: {  	s7 =	smul.u32 @!p0 $0xF7A, s2;
	p2 =	seq.s32 @!p0 s5, $0x0  }
0x1f: {  	s9 =	smul.u32 $0xF7A, s1;
	s8 =	simm.s32 @!p0 $0x1BF5;
	p2 =	por !p2, p0  }
0x20: {  	[sflag:s8] =	ssyncset.s32 @!p0 $0xFFFFF086;
	s6 =	sadd.s32 @!p0 s3, s7;
	s7 =	simm.s32 @!p0 $0x108  }
0x21: {  	s3 =	sadd.s32 s3, s9;
	s6 =	sadd.s32 @!p0 $0x88, s6;
	s7 =	simm.s32 @p2 $0x1082  }
0x22: {  	[simem:s7], [sflag:s8] =	dma.local @!p0 [hbm:s6], $0xF7A  }
0x23: {  	s9 =	sor.u32 $0xD0000000, s2;
	s6 =	simm.s32 $0x108;
	_ =	swait.ge @!p0 [sflag:s8], $0x0  }
0x24: {  	s3 =	sadd.s32 $0x88, s3;
	s6 =	simm.s32 @!p1 $0x1082;
	[sflag:s4] =	ssyncset.s32 $0xFFFFF086  }
0x25: {  	[simem:s6], [sflag:s4] =	dma.local [hbm:s3], $0xF7A  }
0x26: {  	[smem:$0x3F96] =	sst s1;
	(tag) =	ssettag s2;
	_ =	strace s9  }
0x27: {  	s1 =	sld [smem:$0x3FA6]  }
0x28: {  	s2 =	sld [smem:$0x3FA7]  }
0x29: {  	s4 =	sld [smem:$0x3FA9]  }
0x2a: {  	p0 =	seq.s32 s5, $0x0;
	s5 =	sld [smem:$0x3FAA]  }
0x2b: {  	s6 =	sld [smem:$0x3FAB]  }
0x2c: {  	s7 =	sld [smem:$0x3FAC]  }
0x2d: {  	s3 =	simm.s32 $0x108;
	s8 =	sld [smem:$0x3FAD]  }
0x2e: {  	s3 =	simm.s32 @!p0 $0x1082;
	s9 =	sld [smem:$0x3FAE]  }
0x2f: {  	lr =	sadd.s32 s0, s3;
	s0 =	sld [smem:$0x3FA5]  }
0x30: {  	s3 =	sld [smem:$0x3FA8]  }
0x31: {  	[smem:$0x3FB1] =	sst s10  }
0x32: {  	s10 =	sld [smem:$0x3FAF];
	_ =	sdelay $0x3  }
0x33: {  	p0 =	seq.s32 s10, $0x1;
	s10 =	sld [smem:$0x3FB1];
	_ =	sdelay $0x3  }
0x34: {  	[smem:$0x3FB1] =	sst s10  }
0x35: {  	s10 =	sld [smem:$0x3FB0];
	_ =	sdelay $0x3  }
0x36: {  	p1 =	seq.s32 s10, $0x1;
	s10 =	sld [smem:$0x3FB1];
	_ =	sdelay $0x3  }
0x37: {  	[smem:$0x3FB1] =	sst s10  }
0x38: {  	s10 =	sld [smem:$0x3FB2]  }
0x39: {  	_ = 	snop;
	(pc) =	sbr.ind lr, $3  }
0x3a: {  	_ = 	snop  }
0x3b: {  	_ = 	snop  }
0x3c: {  	p2 =	seq.s32 s10, $0x1;
	s10 =	sld [smem:$0x3FB1]  }
0x3d: {  	_ =	shalt  }
0x3e: {  	_ =	shalt  }
0x3f: {  	_ =	shalt  }
0x40: {  	_ =	shalt  }
0x41: {  	_ =	shalt  }
0x42: {  	_ =	shalt  }
0x43: {  	_ =	shalt  }
0x44: {  	_ =	shalt  }
0x45: {  	_ =	shalt  }
0x46: {  	_ =	shalt  }
0x47: {  	_ =	shalt  }
0x48: {  	_ =	shalt  }
0x49: {  	_ =	shalt  }
0x4a: {  	_ =	shalt  }
0x4b: {  	_ =	shalt  }
0x4c: {  	_ =	shalt  }
0x4d: {  	_ =	shalt  }
0x4e: {  	_ =	shalt  }
0x4f: {  	_ =	shalt  }
0x50: {  	_ =	shalt  }
0x51: {  	_ =	shalt  }
0x52: {  	_ =	shalt  }
0x53: {  	_ =	shalt  }
0x54: {  	_ =	shalt  }
0x55: {  	_ =	shalt  }
0x56: {  	_ =	shalt  }
0x57: {  	_ =	shalt  }
0x58: {  	_ =	shalt  }
0x59: {  	_ =	shalt  }
0x5a: {  	_ =	shalt  }
0x5b: {  	_ =	shalt  }
0x5c: {  	_ =	shalt  }
0x5d: {  	_ =	shalt  }
0x5e: {  	_ =	shalt  }
0x5f: {  	_ =	shalt  }
0x60: {  	_ =	shalt  }
0x61: {  	_ =	shalt  }
0x62: {  	_ =	shalt  }
0x63: {  	_ =	shalt  }
0x64: {  	_ =	shalt  }
0x65: {  	_ =	shalt  }
0x66: {  	_ =	shalt  }
0x67: {  	_ =	shalt  }
0x68: {  	_ =	shalt  }
0x69: {  	_ =	shalt  }
0x6a: {  	_ =	shalt  }
0x6b: {  	_ =	shalt  }
0x6c: {  	_ =	shalt  }
0x6d: {  	_ =	shalt  }
0x6e: {  	_ =	shalt  }
0x6f: {  	_ =	shalt  }
0x70: {  	_ =	shalt  }
0x71: {  	_ =	shalt  }
0x72: {  	_ =	shalt  }
0x73: {  	_ =	shalt  }
0x74: {  	_ =	shalt  }
0x75: {  	_ =	shalt  }
0x76: {  	_ =	shalt  }
0x77: {  	_ =	shalt  }
0x78: {  	_ =	shalt  }
0x79: {  	_ =	shalt  }
0x7a: {  	_ =	shalt  }
0x7b: {  	_ =	shalt  }
0x7c: {  	_ =	shalt  }
0x7d: {  	_ =	shalt  }
0x7e: {  	_ =	shalt  }
0x7f: {  	_ =	shalt  }
0x80: {  	_ =	shalt  }
0x81: {  	_ =	shalt  }
0x82: {  	_ =	shalt  }
0x83: {  	_ =	shalt  }
0x84: {  	_ =	shalt  }
0x85: {  	_ =	shalt  }
0x86: {  	_ =	shalt  }
0x87: {  	_ =	shalt  }
.Lfunc_end0:
.L_simem_size_0:
called_computation.2_lowered:
.L_overlay_start_0:
0x88: {  	s2 =	sld [smem:$0x3FD9]  }
0x89: {  	s3 =	sld [smem:$0x3FFE];
	_ =	sdelay $0x1  }
0x8a: {  	s1 =	srdreg.scid  }
0x8b: {  	s0 =	sand.u32 $0x1, s1  }
0x8c: {  	s16 =	sshll.u32 s0, $0xA;
	s2 =	sadd.s32 s3, s2  }
0x8d: {  	s2 =	sadd.s32 s2, s16  }
0x8e: {  	[smem:$0x3FBD] =	sst s2  }
0x8f: {  	_ = 	snop  }
0x90: {  	(tm) =	ssettm $0x1  }
0x91: {  	s17 =	sld [smem:$0x3FFB];
	_ =	sdelay $0x3  }
0x92: {  	_ =	strace s17  }
0x93: {  	s2 =	sld [smem:$0x3FFC];
	_ =	sdelay $0x3  }
0x94: {  	_ =	strace s2  }
0x95: {  	s2 =	sld [smem:$0x3FFD];
	_ =	sdelay $0x3  }
0x96: {  	_ =	strace s2  }
0x97: {  	_ =	strace $0x8FFFFFFF  }
0x98: {  	s18 =	sld [smem:$0x3FDB];
	_ =	sdelay $0x1  }
0x99: {  	s19 =	simm.s32 $_scs_section_size  }
0x9a: {  	s4 =	simm.s32 $_size__tile_overlayer_lowered;
	s5 =	simm.s32 $_tile_overlayer_lowered  }
0x9b: {  	s22 =	simm.s32 $0x1BFF;
	s21 =	sshll.u32 s5, $0x1;
	s2 =	sadd.s32 s19, s18  }
0x9c: {  	s6 =	simm.s32 $0x0;
	s20 =	sshll.u32 s4, $0x1;
	s4 =	sadd.s32 s21, s2  }
0x9d: {  	[timem:s6], [sflag:s22] =	dma.local [hbm:s4], s20  }
0x9e: {  	_ =	swait.ge [sflag:s22], s20  }
0x9f: {  	s3 =	ssub.s32 $0x0, s20;
	[sflag:s22] =	ssyncset.done $0x0  }
0xa0: {  	[sflag:s22] =	ssyncadd.s32 s3;
	_ =	sdelay $0x1  }
0xa1: {  	s23 =	simm.s32 $0x1B8B  }
0xa2: {  	_ =	swait.ge [sflag:s23], $0x1  }
0xa3: {  	[sflag:s23] =	ssyncset.done $0x0  }
0xa4: {  	s25 =	simm.s32 $0x1B8E;
	s24 =	sld [smem:$0x3FFE];
	[sflag:s23] =	ssyncadd.s32 $0xFFFFFFFF  }
0xa5: {  	s26 =	simm.s32 $execute0_lowered;
	[smem:$0x3FD2] =	sst s25  }
0xa6: {  	s4 =	sshll.u32 s26, $0x1;
	_ =	strace $0x8000004C;
	[dreg:$0x1] =	wrdreg $0xFFFFFFFF  }
0xa7: {  	s28 =	simm.s32 $_size_execute0_lowered;
	s2 =	sadd.s32 s2, s4;
	[dreg:$0x0] =	wrdreg $0x0  }
0xa8: {  	s4 =	sshll.u32 s28, $0x1;
	[dreg:$0x2] =	wrdreg s2  }
0xa9: {  	[dreg:$0x3] =	wrdreg s4  }
0xaa: {  	[dreg:$0x4] =	wrdreg $0xC0  }
0xab: {  	_ =	task [dreg:s6], $0x5FFFF  }
0xac: {  	[dreg:$0x1] =	wrdreg $0xFFFFFFFF  }
0xad: {  	[dreg:$0x0] =	wrdreg $0x60  }
0xae: {  	[dreg:$0x2] =	wrdreg s24  }
0xaf: {  	[dreg:$0x3] =	wrdreg $0xB0000  }
0xb0: {  	[dreg:$0x4] =	wrdreg $0x9  }
0xb1: {  	_ =	task.clear_ibuf [dreg:s6], $0x5FFFF;
	_ =	strace $0x9000004C  }
0xb2: {  	s29 =	simm.s32 $0x9;
	_ =	strace $0x8000004E  }
0xb3: {  	_ =	swait.ge [sflag:s29], $0x1  }
0xb4: {  	[sflag:s29] =	ssyncadd.s32 $0xFFFFFFFF  }
0xb5: {  	_ =	strace $0x9000004E  }
0xb6: {  	_ =	sfence  }
0xb7: {  	s30 =	sld [smem:$0x0];
	_ =	sdelay $0x2  }
0xb8: {  	s31 =	sshll.u32 s1, $0xD;
	s1 =	sshrl.u32 s1, $0x2  }
0xb9: {  	s3 =	sand.u32 $0x4000, s31;
	s1 =	sadd.s32 s1, s30  }
0xba: {  	s0 =	sor.u32 s3, s0;
	s1 =	sshll.u32 s1, $0x11  }
0xbb: {  	s0 =	sor.u32 s1, s0  }
0xbc: {  	s0 =	sadd.s32 $0x8F2B, s0  }
0xbd: {  	[sflag:s0] =	ssyncadd.remote.s32 $0x1  }
0xbe: {  	_ =	sfence.sel $0xFFFF  }
0xbf: {  	[dreg:$0x0] =	wrdreg $0xFFFFFFFF;
	(pc) =	sbr.abs _section_cstart, $3  }
0xc0: {  	[dreg:$0x1] =	wrdreg $0xFFFFFFFF  }
0xc1: {  	_ =	task.clear_ibuf [dreg:s6], $0x2FFFF;
	_ =	strace $0x9FFFFFFF  }
0xc2: {  	(tm) =	ssettm $0x7FFFFFFF  }
0xc3: {  	_ =	shalt  }
tec
execute0_lowered:
.L_overlay_start_1:
0x0: {  	(tag) =	ssettag $0x1  }
0x1: {  	s5 =	rddreg [dreg:$0x0];
	s1 =	srdreg.scid  }
0x2: {  	s0 =	stileid.u32;
	s2 =	rddreg [dreg:$0x1]  }
0x3: {  	s3 =	simm.s32 $0x0;
	s18 =	simm.s32 $0x9000;
	s19 =	simm.s32 $0x2  }
0x4: {  	s20 =	simm.s32 $0x2800;
	s21 =	simm.s32 $0x80;
	s22 =	simm.s32 $0x5000  }
0x5: {  	s23 =	simm.s32 $0x1;
	s6 =	sand.u32 $0x1, s1;
	s8 =	smul.u32 $0x50000, s0  }
0x6: {  	s4 =	sshll.u32 s0, $0x1;
	s1 =	rddreg [dreg:$0x2];
	s25 =	smul.u32 $0x2800, s0  }
0x7: {  	[smem:$0x7FF] =	sst s3;
	s4 =	sor.u32 s6, s4;
	s9 =	smul.u32 $0x28000, s6  }
0x8: {  	_ =	strace $0x8000004D;
	s6 =	ssub.s32 $0x2, s6;
	s7 =	smul.u32 $0x500, s4  }
0x9: {  	s4 =	sadd.s32 $0xD600, s5;
	s10 =	sshrl.u32 s6, $0x1;
	s8 =	sshrl.u32 s8, $0x2  }
0xa: {  	s9 =	sadd.s32 s9, s5;
	s10 =	ssub.s32 s6, s10;
	s7 =	sadd.s32 s7, s5  }
0xb: {  	s5 =	sadd.s32 s8, s2;
	s24 =	sadd.s32 $0x67600, s9;
	s8 =	smax.u32 s10, $0x1  }
0xc: {  	s6 =	sadd.s32 $0x5D600, s7;
	s7 =	sadd.s32 $0x3600, s7;
	s9 =	sadd.s32 $0x2000, s5  }
0xd: {  	s10 =	sadd.s32 $0x4000, s5;
	s11 =	sadd.s32 $0x6000, s5;
	s12 =	sadd.s32 $0x8000, s5  }
0xe: {  	s13 =	sadd.s32 $0xA000, s5;
	s14 =	sadd.s32 $0xC000, s5;
	s15 =	sadd.s32 $0xE000, s5  }
0xf: {  	v0 =	vimm.f32 $0.0e+00;
	s16 =	sadd.s32 $0x10000, s5;
	s17 =	sadd.s32 $0x12000, s5;
	s24 =	sadd.s32 s25, s24  }
.LBB2_1:
0x10: {  	s25 =	simm.s32 $0x0;
	s26 =	simm.s32 $0x200  }
.LBB2_2:
0x11: {  	p0 =	sne.s32 s26, $0x7E00;
	[tilespmem:s25+$0x9070] =	vst v0  }
0x12: {  	[tilespmem:s25+$0x9000] =	vst v0  }
0x13: {  	[tilespmem:s25+$0x9010] =	vst v0  }
.Ltmp0:
0x14: {  	[tilespmem:s25+$0x9020] =	vst v0;
	(pc) =	sbr.rel @p0 .LBB2_2-.Ltmp0, $4  }
0x15: {  	[tilespmem:s25+$0x9030] =	vst v0  }
0x16: {  	[tilespmem:s25+$0x9040] =	vst v0  }
0x17: {  	[tilespmem:s25+$0x9050] =	vst v0  }
0x18: {  	[tilespmem:s25+$0x9060] =	vst v0;
	s25 =	sshra.s32 s26, $0x2;
	s26 =	sadd.s32 $0x200, s26  }
0x19: {  	[tilespmem:s25+$0x9070] =	vst v0  }
0x1a: {  	[tilespmem:s25+$0x9000] =	vst v0  }
0x1b: {  	[tilespmem:s25+$0x9010] =	vst v0  }
0x1c: {  	[tilespmem:s25+$0x9020] =	vst v0  }
0x1d: {  	[tilespmem:s25+$0x9030] =	vst v0  }
0x1e: {  	[tilespmem:s25+$0x9040] =	vst v0  }
0x1f: {  	[tilespmem:s25+$0x9050] =	vst v0  }
0x20: {  	[tilespmem:s25+$0x9060] =	vst v0  }
0x21: {  	[spmem:s5] =	stream.linear.scatter [tilespmem:s18], [sflag:$0x2], $0x2000, $0x38;
	[tilespmem:$0x1F000] =	vst v63  }
0x22: {  	_ =	swait.ge [sflag:s19], $0x2000  }
0x23: {  	[sflag:s19] =	ssyncset.done $0x0  }
0x24: {  	[sflag:s19] =	ssyncadd.s32 $0xFFFFE000  }
0x25: {  	[spmem:s9] =	stream.linear.scatter [tilespmem:s18], [sflag:$0x2], $0x2000, $0x38;
	[tilespmem:$0x1F000] =	vst v63  }
0x26: {  	_ =	swait.ge [sflag:s19], $0x2000  }
0x27: {  	[sflag:s19] =	ssyncset.done $0x0  }
0x28: {  	[sflag:s19] =	ssyncadd.s32 $0xFFFFE000  }
0x29: {  	[spmem:s10] =	stream.linear.scatter [tilespmem:s18], [sflag:$0x2], $0x2000, $0x38;
	[tilespmem:$0x1F000] =	vst v63  }
0x2a: {  	_ =	swait.ge [sflag:s19], $0x2000  }
0x2b: {  	[sflag:s19] =	ssyncset.done $0x0  }
0x2c: {  	[sflag:s19] =	ssyncadd.s32 $0xFFFFE000  }
0x2d: {  	[spmem:s11] =	stream.linear.scatter [tilespmem:s18], [sflag:$0x2], $0x2000, $0x38;
	[tilespmem:$0x1F000] =	vst v63  }
0x2e: {  	_ =	swait.ge [sflag:s19], $0x2000  }
0x2f: {  	[sflag:s19] =	ssyncset.done $0x0  }
0x30: {  	[sflag:s19] =	ssyncadd.s32 $0xFFFFE000  }
0x31: {  	[spmem:s12] =	stream.linear.scatter [tilespmem:s18], [sflag:$0x2], $0x2000, $0x38;
	[tilespmem:$0x1F000] =	vst v63  }
0x32: {  	_ =	swait.ge [sflag:s19], $0x2000  }
0x33: {  	[sflag:s19] =	ssyncset.done $0x0  }
0x34: {  	[sflag:s19] =	ssyncadd.s32 $0xFFFFE000  }
0x35: {  	[spmem:s13] =	stream.linear.scatter [tilespmem:s18], [sflag:$0x2], $0x2000, $0x38;
	[tilespmem:$0x1F000] =	vst v63  }
0x36: {  	_ =	swait.ge [sflag:s19], $0x2000  }
0x37: {  	[sflag:s19] =	ssyncset.done $0x0  }
0x38: {  	[sflag:s19] =	ssyncadd.s32 $0xFFFFE000  }
0x39: {  	[spmem:s14] =	stream.linear.scatter [tilespmem:s18], [sflag:$0x2], $0x2000, $0x38;
	[tilespmem:$0x1F000] =	vst v63  }
0x3a: {  	_ =	swait.ge [sflag:s19], $0x2000  }
0x3b: {  	[sflag:s19] =	ssyncset.done $0x0  }
0x3c: {  	[sflag:s19] =	ssyncadd.s32 $0xFFFFE000  }
0x3d: {  	[spmem:s15] =	stream.linear.scatter [tilespmem:s18], [sflag:$0x2], $0x2000, $0x38;
	[tilespmem:$0x1F000] =	vst v63  }
0x3e: {  	_ =	swait.ge [sflag:s19], $0x2000  }
0x3f: {  	[sflag:s19] =	ssyncset.done $0x0  }
0x40: {  	[sflag:s19] =	ssyncadd.s32 $0xFFFFE000  }
0x41: {  	[spmem:s16] =	stream.linear.scatter [tilespmem:s18], [sflag:$0x2], $0x2000, $0x38;
	[tilespmem:$0x1F000] =	vst v63  }
0x42: {  	_ =	swait.ge [sflag:s19], $0x2000  }
0x43: {  	[sflag:s19] =	ssyncset.done $0x0  }
0x44: {  	[sflag:s19] =	ssyncadd.s32 $0xFFFFE000  }
0x45: {  	[spmem:s17] =	stream.linear.scatter [tilespmem:s18], [sflag:$0x2], $0x2000, $0x38;
	[tilespmem:$0x1F000] =	vst v63  }
0x46: {  	_ =	swait.ge [sflag:s19], $0x2000  }
0x47: {  	[sflag:s19] =	ssyncset.done $0x0  }
0x48: {  	[sflag:s19] =	ssyncadd.s32 $0xFFFFE000  }
0x49: {  	s29 =	simm.s32 $0x0;
	[bflag:$0x0] =	sbarrier.arrive $0xFFFF  }
0x4a: {  	[tilespmem:s29], [sflag:$0x2] =	stream.linear.gather [hbm4b:s6+s29], $0x2780, $0x38;
	[tilespmem:$0x1F000] =	vst v63  }
0x4b: {  	_ =	swait.ge [sflag:s19], $0x2780  }
0x4c: {  	[sflag:s19] =	ssyncset.done $0x0  }
0x4d: {  	[sflag:s19] =	ssyncadd.s32 $0xFFFFD880  }
0x4e: {  	[tilespmem:s20], [sflag:$0x2] =	stream.linear.gather [hbm4b:s7+s29], $0x2780, $0x38;
	[tilespmem:$0x1F000] =	vst v63  }
0x4f: {  	_ =	swait.ge [sflag:s19], $0x2780  }
0x50: {  	[sflag:s19] =	ssyncset.done $0x0  }
0x51: {  	s30 =	simm.s32 $0x0;
	[sflag:s19] =	ssyncadd.s32 $0xFFFFD880  }
0x52: {  	[tilespmem:s22], [sflag:$0x1] =	stream.indirect.gather [hbm4b:s4+s21], $0x80, s30, s21, $0xb8;
	[tilespmem:$0x1F000] =	vst v63  }
0x53: {  	_ =	swait.ge [sflag:s23], $0x4000  }
0x54: {  	[sflag:s23] =	ssyncset.done $0x0  }
0x55: {  	s31 =	simm.s32 $0x2800;
	[sflag:s23] =	ssyncadd.s32 $0xFFFFC000  }
0x56: {  	[spmem:s2] =	stream.indirect.scatter.add.f32 [tilespmem:s22], [sflag:$0x2], $0x80, s31, s21, $0xb8;
	[tilespmem:$0x1F000] =	vst v63  }
0x57: {  	_ =	swait.ge [sflag:s19], $0x4000  }
0x58: {  	s25 =	simm.s32 $0x200;
	s26 =	simm.s32 $0x400;
	[sflag:s19] =	ssyncset.done $0x0  }
.LBB2_4:
0x59: {  	s28 =	sshra.s32 s25, $0x2  }
0x5a: {  	[sflag:s19] =	ssyncadd.s32 $0xFFFFC000;
	s25 =	smov.u32 s26;
	s29 =	sadd.s32 $0x200, s26  }
0x5b: {  	[tilespmem:s22], [sflag:$0x1] =	stream.indirect.gather [hbm4b:s4+s21], $0x80, s28, s21, $0xb8;
	[tilespmem:$0x1F000] =	vst v63  }
0x5c: {  	p0 =	sne.s32 s26, $0x9C00;
	_ =	swait.ge [sflag:s23], $0x4000  }
.Ltmp1:
0x5d: {  	[sflag:s23] =	ssyncset.done $0x0;
	(pc) =	sbr.rel @p0 .LBB2_4-.Ltmp1, $4  }
0x5e: {  	s26 =	sadd.s32 $0x2800, s28;
	[sflag:s23] =	ssyncadd.s32 $0xFFFFC000  }
0x5f: {  	[spmem:s2] =	stream.indirect.scatter.add.f32 [tilespmem:s22], [sflag:$0x2], $0x80, s26, s21, $0xb8;
	[tilespmem:$0x1F000] =	vst v63  }
0x60: {  	_ =	swait.ge [sflag:s19], $0x4000  }
0x61: {  	s26 =	smov.u32 s29;
	[sflag:s19] =	ssyncset.done $0x0  }
0x62: {  	s25 =	sshra.s32 s25, $0x2;
	[sflag:s19] =	ssyncadd.s32 $0xFFFFC000  }
0x63: {  	[tilespmem:s22], [sflag:$0x1] =	stream.indirect.gather [hbm4b:s4+s21], $0x80, s25, s21, $0xb8;
	[tilespmem:$0x1F000] =	vst v63  }
0x64: {  	_ =	swait.ge [sflag:s23], $0x4000  }
0x65: {  	[sflag:s23] =	ssyncset.done $0x0  }
0x66: {  	s25 =	sadd.s32 $0x2800, s25;
	[sflag:s23] =	ssyncadd.s32 $0xFFFFC000  }
0x67: {  	[spmem:s2] =	stream.indirect.scatter.add.f32 [tilespmem:s22], [sflag:$0x2], $0x80, s25, s21, $0xb8;
	[tilespmem:$0x1F000] =	vst v63  }
0x68: {  	_ =	swait.ge [sflag:s19], $0x4000  }
0x69: {  	s31 =	sshll.u32 s0, $0x6;
	s3 =	sadd.s32 $0x1, s3;
	[sflag:s19] =	ssyncset.done $0x0  }
0x6a: {  	s26 =	sshrl.u32 s5, $0x3;
	p0 =	sne.s32 s3, s8;
	[sflag:s19] =	ssyncadd.s32 $0xFFFFC000  }
.Ltmp2:
0x6b: {  	s25 =	sor.u32 $0x1C02, s31;
	[bflag:$0x0] =	sbarrier.arrive $0xFFFF;
	(pc) =	sbr.rel @p0 .LBB2_1-.Ltmp2, $4  }
0x6c: {  	[hbm:s24], [sflag:s25] =	dma.local [spmem:s26], $0x2800  }
0x6d: {  	_ =	swait.ge [sflag:s19], $0x2800  }
0x6e: {  	[sflag:s19] =	ssyncset.done $0x0  }
0x6f: {  	[sflag:s19] =	ssyncadd.s32 $0xFFFFD800  }
0x70: {  	_ =	sfence.sel $0x180000  }
0x71: {  	[bflag:$0x0] =	sbarrier.arrive $0xFFFF  }
0x72: {  	p0 =	sne.s32 s0, $0x0;
	_ =	strace $0x9000004D  }
0x73: {  	s0 =	sadd.s32 @!p0 $0x100000, s1;
	[bflag:$0x2] =	sbarrier.arrive $0xFFFF  }
0x74: {  	[sflag:s0] =	ssyncadd.tile.s32 @!p0 $0x1;
	_ =	shalt  }
.Lfunc_end2:
_tile_overlayer_lowered:
.L_overlay_start_2:
0x75: {  	(tag) =	ssettag $0x2  }
0x76: {  	s0 =	rddreg [dreg:$0x0];
	s2 =	stileid.u32  }
0x77: {  	s1 =	rddreg [dreg:$0x1];
	p0 =	sne.s32 s2, $0x0  }
0x78: {  	s3 =	rddreg [dreg:$0x2];
	[bflag:$0x3] =	sbarrier.arrive $0xFFFF;
	s2 =	simm.s32 @!p0 $0x1C02  }
0x79: {  	[timem:s3], [sflag:s2] =	dma.local @!p0 [hbm:s0], s1  }
0x7a: {  	s0 =	simm.s32 @!p0 $0x2  }
0x7b: {  	_ =	swait.ge @!p0 [sflag:s0], s1  }
0x7c: {  	s1 =	ssub.s32 @!p0 $0x0, s1;
	[sflag:s0] =	ssyncset.done @!p0 $0x0  }
0x7d: {  	[sflag:s0] =	ssyncadd.s32 @!p0 s1  }
0x7e: {  	[bflag:$0x3] =	sbarrier.arrive $0xFFFF  }
0x7f: {  	_ =	shalt  }

// kernel: kernel.19.cloned.1.call-start
scs
__scs_entry_jumppad:
0x0: {  	(pc) =	sbr.rel $0x88, $3  }
0x1: {  	(tag) =	ssettag $0x0;
	lr =	simm.s32 $0x1  }
0x2: {  	[smem:$0x3F96] =	sst lr;
	_ =	strace $0xD0000000  }
0x3: {  	_ = 	snop  }
0x4: {  	_ = 	snop  }
0x5: {  	_ = 	snop  }
0x6: {  	_ = 	snop  }
0x7: {  	_ = 	snop  }
__scs_overlays_trampoline_lowered:
0x8: {  	[smem:$0x3FA5] =	sst s0  }
0x9: {  	[smem:$0x3FA6] =	sst s1  }
0xa: {  	[smem:$0x3FA7] =	sst s2  }
0xb: {  	[smem:$0x3FA8] =	sst s3  }
0xc: {  	[smem:$0x3FA9] =	sst s4  }
0xd: {  	[smem:$0x3FAA] =	sst s5  }
0xe: {  	[smem:$0x3FAB] =	sst s6  }
0xf: {  	[smem:$0x3FAC] =	sst s7  }
0x10: {  	[smem:$0x3FAD] =	sst s8  }
0x11: {  	[smem:$0x3FAE] =	sst s9;
	s0 =	simm.s32 @!p0 $0x0  }
0x12: {  	s1 =	sld [smem:$0x3F94];
	s0 =	simm.s32 @p0 $0x1  }
0x13: {  	[smem:$0x3FAF] =	sst s0;
	s0 =	simm.s32 @!p1 $0x0  }
0x14: {  	s2 =	sld [smem:$0x3F93];
	s0 =	simm.s32 @p1 $0x1  }
0x15: {  	[smem:$0x3FB0] =	sst s0;
	s0 =	simm.s32 @!p2 $0x0  }
0x16: {  	s3 =	sld [smem:$0x3FDB];
	s0 =	simm.s32 @p2 $0x1  }
0x17: {  	s4 =	simm.s32 $0x1BF5;
	[smem:$0x3FB2] =	sst s0  }
0x18: {  	s0 =	sld [smem:$0x3F95];
	_ =	swait.ge [sflag:s4], $0x0  }
0x19: {  	s7 =	sld [smem:$0x3F96]  }
0x1a: {  	s8 =	sadd.s32 $0xFFFFE003, lr  }
0x1b: {  	s9 =	sadd.s32 $0xFFFFFEF7, lr;
	s5 =	simm.s32 $0xFFFFFFFF;
	p2 =	slt.u32 s8, $0xFFFFF086  }
0x1c: {  	p1 =	slt.u32 s9, $0xF7A;
	s5 =	simm.s32 @!p2 $0x0  }
0x1d: {  	s5 =	simm.s32 @p1 $0x1;
	p0 =	seq.s32 s7, s2  }
0x1e: {  	s7 =	smul.u32 @!p0 $0xF7A, s2;
	p2 =	seq.s32 @!p0 s5, $0x0  }
0x1f: {  	s9 =	smul.u32 $0xF7A, s1;
	s8 =	simm.s32 @!p0 $0x1BF5;
	p2 =	por !p2, p0  }
0x20: {  	[sflag:s8] =	ssyncset.s32 @!p0 $0xFFFFF086;
	s6 =	sadd.s32 @!p0 s3, s7;
	s7 =	simm.s32 @!p0 $0x108  }
0x21: {  	s3 =	sadd.s32 s3, s9;
	s6 =	sadd.s32 @!p0 $0x88, s6;
	s7 =	simm.s32 @p2 $0x1082  }
0x22: {  	[simem:s7], [sflag:s8] =	dma.local @!p0 [hbm:s6], $0xF7A  }
0x23: {  	s9 =	sor.u32 $0xD0000000, s2;
	s6 =	simm.s32 $0x108;
	_ =	swait.ge @!p0 [sflag:s8], $0x0  }
0x24: {  	s3 =	sadd.s32 $0x88, s3;
	s6 =	simm.s32 @!p1 $0x1082;
	[sflag:s4] =	ssyncset.s32 $0xFFFFF086  }
0x25: {  	[simem:s6], [sflag:s4] =	dma.local [hbm:s3], $0xF7A  }
0x26: {  	[smem:$0x3F96] =	sst s1;
	(tag) =	ssettag s2;
	_ =	strace s9  }
0x27: {  	s1 =	sld [smem:$0x3FA6]  }
0x28: {  	s2 =	sld [smem:$0x3FA7]  }
0x29: {  	s4 =	sld [smem:$0x3FA9]  }
0x2a: {  	p0 =	seq.s32 s5, $0x0;
	s5 =	sld [smem:$0x3FAA]  }
0x2b: {  	s6 =	sld [smem:$0x3FAB]  }
0x2c: {  	s7 =	sld [smem:$0x3FAC]  }
0x2d: {  	s3 =	simm.s32 $0x108;
	s8 =	sld [smem:$0x3FAD]  }
0x2e: {  	s3 =	simm.s32 @!p0 $0x1082;
	s9 =	sld [smem:$0x3FAE]  }
0x2f: {  	lr =	sadd.s32 s0, s3;
	s0 =	sld [smem:$0x3FA5]  }
0x30: {  	s3 =	sld [smem:$0x3FA8]  }
0x31: {  	[smem:$0x3FB1] =	sst s10  }
0x32: {  	s10 =	sld [smem:$0x3FAF];
	_ =	sdelay $0x3  }
0x33: {  	p0 =	seq.s32 s10, $0x1;
	s10 =	sld [smem:$0x3FB1];
	_ =	sdelay $0x3  }
0x34: {  	[smem:$0x3FB1] =	sst s10  }
0x35: {  	s10 =	sld [smem:$0x3FB0];
	_ =	sdelay $0x3  }
0x36: {  	p1 =	seq.s32 s10, $0x1;
	s10 =	sld [smem:$0x3FB1];
	_ =	sdelay $0x3  }
0x37: {  	[smem:$0x3FB1] =	sst s10  }
0x38: {  	s10 =	sld [smem:$0x3FB2]  }
0x39: {  	_ = 	snop;
	(pc) =	sbr.ind lr, $3  }
0x3a: {  	_ = 	snop  }
0x3b: {  	_ = 	snop  }
0x3c: {  	p2 =	seq.s32 s10, $0x1;
	s10 =	sld [smem:$0x3FB1]  }
0x3d: {  	_ =	shalt  }
0x3e: {  	_ =	shalt  }
0x3f: {  	_ =	shalt  }
0x40: {  	_ =	shalt  }
0x41: {  	_ =	shalt  }
0x42: {  	_ =	shalt  }
0x43: {  	_ =	shalt  }
0x44: {  	_ =	shalt  }
0x45: {  	_ =	shalt  }
0x46: {  	_ =	shalt  }
0x47: {  	_ =	shalt  }
0x48: {  	_ =	shalt  }
0x49: {  	_ =	shalt  }
0x4a: {  	_ =	shalt  }
0x4b: {  	_ =	shalt  }
0x4c: {  	_ =	shalt  }
0x4d: {  	_ =	shalt  }
0x4e: {  	_ =	shalt  }
0x4f: {  	_ =	shalt  }
0x50: {  	_ =	shalt  }
0x51: {  	_ =	shalt  }
0x52: {  	_ =	shalt  }
0x53: {  	_ =	shalt  }
0x54: {  	_ =	shalt  }
0x55: {  	_ =	shalt  }
0x56: {  	_ =	shalt  }
0x57: {  	_ =	shalt  }
0x58: {  	_ =	shalt  }
0x59: {  	_ =	shalt  }
0x5a: {  	_ =	shalt  }
0x5b: {  	_ =	shalt  }
0x5c: {  	_ =	shalt  }
0x5d: {  	_ =	shalt  }
0x5e: {  	_ =	shalt  }
0x5f: {  	_ =	shalt  }
0x60: {  	_ =	shalt  }
0x61: {  	_ =	shalt  }
0x62: {  	_ =	shalt  }
0x63: {  	_ =	shalt  }
0x64: {  	_ =	shalt  }
0x65: {  	_ =	shalt  }
0x66: {  	_ =	shalt  }
0x67: {  	_ =	shalt  }
0x68: {  	_ =	shalt  }
0x69: {  	_ =	shalt  }
0x6a: {  	_ =	shalt  }
0x6b: {  	_ =	shalt  }
0x6c: {  	_ =	shalt  }
0x6d: {  	_ =	shalt  }
0x6e: {  	_ =	shalt  }
0x6f: {  	_ =	shalt  }
0x70: {  	_ =	shalt  }
0x71: {  	_ =	shalt  }
0x72: {  	_ =	shalt  }
0x73: {  	_ =	shalt  }
0x74: {  	_ =	shalt  }
0x75: {  	_ =	shalt  }
0x76: {  	_ =	shalt  }
0x77: {  	_ =	shalt  }
0x78: {  	_ =	shalt  }
0x79: {  	_ =	shalt  }
0x7a: {  	_ =	shalt  }
0x7b: {  	_ =	shalt  }
0x7c: {  	_ =	shalt  }
0x7d: {  	_ =	shalt  }
0x7e: {  	_ =	shalt  }
0x7f: {  	_ =	shalt  }
0x80: {  	_ =	shalt  }
0x81: {  	_ =	shalt  }
0x82: {  	_ =	shalt  }
0x83: {  	_ =	shalt  }
0x84: {  	_ =	shalt  }
0x85: {  	_ =	shalt  }
0x86: {  	_ =	shalt  }
0x87: {  	_ =	shalt  }
.Lfunc_end0:
.L_simem_size_0:
called_computation.3_lowered:
.L_overlay_start_0:
0x88: {  	s2 =	sld [smem:$0x3FD9]  }
0x89: {  	s3 =	sld [smem:$0x3FFE];
	_ =	sdelay $0x1  }
0x8a: {  	s1 =	srdreg.scid  }
0x8b: {  	s0 =	sand.u32 $0x1, s1  }
0x8c: {  	s16 =	sshll.u32 s0, $0xA;
	s2 =	sadd.s32 s3, s2  }
0x8d: {  	s2 =	sadd.s32 s2, s16  }
0x8e: {  	[smem:$0x3FBD] =	sst s2  }
0x8f: {  	_ = 	snop  }
0x90: {  	(tm) =	ssettm $0x1  }
0x91: {  	s17 =	sld [smem:$0x3FFB];
	_ =	sdelay $0x3  }
0x92: {  	_ =	strace s17  }
0x93: {  	s2 =	sld [smem:$0x3FFC];
	_ =	sdelay $0x3  }
0x94: {  	_ =	strace s2  }
0x95: {  	s2 =	sld [smem:$0x3FFD];
	_ =	sdelay $0x3  }
0x96: {  	_ =	strace s2  }
0x97: {  	_ =	strace $0x8FFFFFFF  }
0x98: {  	s18 =	sld [smem:$0x3FDB];
	_ =	sdelay $0x1  }
0x99: {  	s19 =	simm.s32 $_scs_section_size  }
0x9a: {  	s4 =	simm.s32 $_size__tile_overlayer_lowered;
	s5 =	simm.s32 $_tile_overlayer_lowered  }
0x9b: {  	s22 =	simm.s32 $0x1BFF;
	s21 =	sshll.u32 s5, $0x1;
	s2 =	sadd.s32 s19, s18  }
0x9c: {  	s6 =	simm.s32 $0x0;
	s20 =	sshll.u32 s4, $0x1;
	s4 =	sadd.s32 s21, s2  }
0x9d: {  	[timem:s6], [sflag:s22] =	dma.local [hbm:s4], s20  }
0x9e: {  	_ =	swait.ge [sflag:s22], s20  }
0x9f: {  	s3 =	ssub.s32 $0x0, s20;
	[sflag:s22] =	ssyncset.done $0x0  }
0xa0: {  	[sflag:s22] =	ssyncadd.s32 s3;
	_ =	sdelay $0x1  }
0xa1: {  	s23 =	simm.s32 $0x1B8B  }
0xa2: {  	_ =	swait.ge [sflag:s23], $0x1  }
0xa3: {  	[sflag:s23] =	ssyncset.done $0x0  }
0xa4: {  	s25 =	simm.s32 $0x1B8E;
	s24 =	sld [smem:$0x3FFE];
	[sflag:s23] =	ssyncadd.s32 $0xFFFFFFFF  }
0xa5: {  	s26 =	simm.s32 $execute0_lowered;
	[smem:$0x3FD2] =	sst s25  }
0xa6: {  	s4 =	sshll.u32 s26, $0x1;
	_ =	strace $0x8000004F;
	[dreg:$0x1] =	wrdreg $0xFFFFFFFF  }
0xa7: {  	s28 =	simm.s32 $_size_execute0_lowered;
	s2 =	sadd.s32 s2, s4;
	[dreg:$0x0] =	wrdreg $0x0  }
0xa8: {  	s4 =	sshll.u32 s28, $0x1;
	[dreg:$0x2] =	wrdreg s2  }
0xa9: {  	[dreg:$0x3] =	wrdreg s4  }
0xaa: {  	[dreg:$0x4] =	wrdreg $0xC0  }
0xab: {  	_ =	task [dreg:s6], $0x5FFFF  }
0xac: {  	[dreg:$0x1] =	wrdreg $0xFFFFFFFF  }
0xad: {  	[dreg:$0x0] =	wrdreg $0x60  }
0xae: {  	[dreg:$0x2] =	wrdreg s24  }
0xaf: {  	[dreg:$0x3] =	wrdreg $0xB0000  }
0xb0: {  	[dreg:$0x4] =	wrdreg $0x9  }
0xb1: {  	_ =	task.clear_ibuf [dreg:s6], $0x5FFFF;
	_ =	strace $0x9000004F  }
0xb2: {  	s29 =	simm.s32 $0x9;
	_ =	strace $0x80000051  }
0xb3: {  	_ =	swait.ge [sflag:s29], $0x1  }
0xb4: {  	[sflag:s29] =	ssyncadd.s32 $0xFFFFFFFF  }
0xb5: {  	_ =	strace $0x90000051  }
0xb6: {  	_ =	sfence  }
0xb7: {  	s30 =	sld [smem:$0x0];
	_ =	sdelay $0x2  }
0xb8: {  	s31 =	sshll.u32 s1, $0xD;
	s1 =	sshrl.u32 s1, $0x2  }
0xb9: {  	s3 =	sand.u32 $0x4000, s31;
	s1 =	sadd.s32 s1, s30  }
0xba: {  	s0 =	sor.u32 s3, s0;
	s1 =	sshll.u32 s1, $0x11  }
0xbb: {  	s0 =	sor.u32 s1, s0  }
0xbc: {  	s0 =	sadd.s32 $0x8F2B, s0  }
0xbd: {  	[sflag:s0] =	ssyncadd.remote.s32 $0x1  }
0xbe: {  	_ =	sfence.sel $0xFFFF  }
0xbf: {  	[dreg:$0x0] =	wrdreg $0xFFFFFFFF;
	(pc) =	sbr.abs _section_cstart, $3  }
0xc0: {  	[dreg:$0x1] =	wrdreg $0xFFFFFFFF  }
0xc1: {  	_ =	task.clear_ibuf [dreg:s6], $0x2FFFF;
	_ =	strace $0x9FFFFFFF  }
0xc2: {  	(tm) =	ssettm $0x7FFFFFFF  }
0xc3: {  	_ =	shalt  }
tec
execute0_lowered:
.L_overlay_start_1:
0x0: {  	(tag) =	ssettag $0x1  }
0x1: {  	s5 =	rddreg [dreg:$0x0];
	s1 =	srdreg.scid  }
0x2: {  	s0 =	stileid.u32;
	s2 =	rddreg [dreg:$0x1]  }
0x3: {  	s3 =	simm.s32 $0x0;
	s18 =	simm.s32 $0x9000;
	s19 =	simm.s32 $0x2  }
0x4: {  	s20 =	simm.s32 $0x2800;
	s21 =	simm.s32 $0x80;
	s22 =	simm.s32 $0x5000  }
0x5: {  	s23 =	simm.s32 $0x1;
	s6 =	sand.u32 $0x1, s1;
	s8 =	smul.u32 $0x50000, s0  }
0x6: {  	s4 =	sshll.u32 s0, $0x1;
	s1 =	rddreg [dreg:$0x2];
	s25 =	smul.u32 $0x2800, s0  }
0x7: {  	[smem:$0x7FF] =	sst s3;
	s4 =	sor.u32 s6, s4;
	s9 =	smul.u32 $0x28000, s6  }
0x8: {  	_ =	strace $0x80000050;
	s6 =	ssub.s32 $0x2, s6;
	s7 =	smul.u32 $0x500, s4  }
0x9: {  	s4 =	sadd.s32 $0xD600, s5;
	s10 =	sshrl.u32 s6, $0x1;
	s8 =	sshrl.u32 s8, $0x2  }
0xa: {  	s9 =	sadd.s32 s9, s5;
	s10 =	ssub.s32 s6, s10;
	s7 =	sadd.s32 s7, s5  }
0xb: {  	s5 =	sadd.s32 s8, s2;
	s24 =	sadd.s32 $0x67600, s9;
	s8 =	smax.u32 s10, $0x1  }
0xc: {  	s6 =	sadd.s32 $0x5D600, s7;
	s7 =	sadd.s32 $0x3600, s7;
	s9 =	sadd.s32 $0x2000, s5  }
0xd: {  	s10 =	sadd.s32 $0x4000, s5;
	s11 =	sadd.s32 $0x6000, s5;
	s12 =	sadd.s32 $0x8000, s5  }
0xe: {  	s13 =	sadd.s32 $0xA000, s5;
	s14 =	sadd.s32 $0xC000, s5;
	s15 =	sadd.s32 $0xE000, s5  }
0xf: {  	v0 =	vimm.f32 $0.0e+00;
	s16 =	sadd.s32 $0x10000, s5;
	s17 =	sadd.s32 $0x12000, s5;
	s24 =	sadd.s32 s25, s24  }
.LBB2_1:
0x10: {  	s25 =	simm.s32 $0x0;
	s26 =	simm.s32 $0x200  }
.LBB2_2:
0x11: {  	p0 =	sne.s32 s26, $0x7E00;
	[tilespmem:s25+$0x9070] =	vst v0  }
0x12: {  	[tilespmem:s25+$0x9000] =	vst v0  }
0x13: {  	[tilespmem:s25+$0x9010] =	vst v0  }
.Ltmp0:
0x14: {  	[tilespmem:s25+$0x9020] =	vst v0;
	(pc) =	sbr.rel @p0 .LBB2_2-.Ltmp0, $4  }
0x15: {  	[tilespmem:s25+$0x9030] =	vst v0  }
0x16: {  	[tilespmem:s25+$0x9040] =	vst v0  }
0x17: {  	[tilespmem:s25+$0x9050] =	vst v0  }
0x18: {  	[tilespmem:s25+$0x9060] =	vst v0;
	s25 =	sshra.s32 s26, $0x2;
	s26 =	sadd.s32 $0x200, s26  }
0x19: {  	[tilespmem:s25+$0x9070] =	vst v0  }
0x1a: {  	[tilespmem:s25+$0x9000] =	vst v0  }
0x1b: {  	[tilespmem:s25+$0x9010] =	vst v0  }
0x1c: {  	[tilespmem:s25+$0x9020] =	vst v0  }
0x1d: {  	[tilespmem:s25+$0x9030] =	vst v0  }
0x1e: {  	[tilespmem:s25+$0x9040] =	vst v0  }
0x1f: {  	[tilespmem:s25+$0x9050] =	vst v0  }
0x20: {  	[tilespmem:s25+$0x9060] =	vst v0  }
0x21: {  	[spmem:s5] =	stream.linear.scatter [tilespmem:s18], [sflag:$0x2], $0x2000, $0x38;
	[tilespmem:$0x1F000] =	vst v63  }
0x22: {  	_ =	swait.ge [sflag:s19], $0x2000  }
0x23: {  	[sflag:s19] =	ssyncset.done $0x0  }
0x24: {  	[sflag:s19] =	ssyncadd.s32 $0xFFFFE000  }
0x25: {  	[spmem:s9] =	stream.linear.scatter [tilespmem:s18], [sflag:$0x2], $0x2000, $0x38;
	[tilespmem:$0x1F000] =	vst v63  }
0x26: {  	_ =	swait.ge [sflag:s19], $0x2000  }
0x27: {  	[sflag:s19] =	ssyncset.done $0x0  }
0x28: {  	[sflag:s19] =	ssyncadd.s32 $0xFFFFE000  }
0x29: {  	[spmem:s10] =	stream.linear.scatter [tilespmem:s18], [sflag:$0x2], $0x2000, $0x38;
	[tilespmem:$0x1F000] =	vst v63  }
0x2a: {  	_ =	swait.ge [sflag:s19], $0x2000  }
0x2b: {  	[sflag:s19] =	ssyncset.done $0x0  }
0x2c: {  	[sflag:s19] =	ssyncadd.s32 $0xFFFFE000  }
0x2d: {  	[spmem:s11] =	stream.linear.scatter [tilespmem:s18], [sflag:$0x2], $0x2000, $0x38;
	[tilespmem:$0x1F000] =	vst v63  }
0x2e: {  	_ =	swait.ge [sflag:s19], $0x2000  }
0x2f: {  	[sflag:s19] =	ssyncset.done $0x0  }
0x30: {  	[sflag:s19] =	ssyncadd.s32 $0xFFFFE000  }
0x31: {  	[spmem:s12] =	stream.linear.scatter [tilespmem:s18], [sflag:$0x2], $0x2000, $0x38;
	[tilespmem:$0x1F000] =	vst v63  }
0x32: {  	_ =	swait.ge [sflag:s19], $0x2000  }
0x33: {  	[sflag:s19] =	ssyncset.done $0x0  }
0x34: {  	[sflag:s19] =	ssyncadd.s32 $0xFFFFE000  }
0x35: {  	[spmem:s13] =	stream.linear.scatter [tilespmem:s18], [sflag:$0x2], $0x2000, $0x38;
	[tilespmem:$0x1F000] =	vst v63  }
0x36: {  	_ =	swait.ge [sflag:s19], $0x2000  }
0x37: {  	[sflag:s19] =	ssyncset.done $0x0  }
0x38: {  	[sflag:s19] =	ssyncadd.s32 $0xFFFFE000  }
0x39: {  	[spmem:s14] =	stream.linear.scatter [tilespmem:s18], [sflag:$0x2], $0x2000, $0x38;
	[tilespmem:$0x1F000] =	vst v63  }
0x3a: {  	_ =	swait.ge [sflag:s19], $0x2000  }
0x3b: {  	[sflag:s19] =	ssyncset.done $0x0  }
0x3c: {  	[sflag:s19] =	ssyncadd.s32 $0xFFFFE000  }
0x3d: {  	[spmem:s15] =	stream.linear.scatter [tilespmem:s18], [sflag:$0x2], $0x2000, $0x38;
	[tilespmem:$0x1F000] =	vst v63  }
0x3e: {  	_ =	swait.ge [sflag:s19], $0x2000  }
0x3f: {  	[sflag:s19] =	ssyncset.done $0x0  }
0x40: {  	[sflag:s19] =	ssyncadd.s32 $0xFFFFE000  }
0x41: {  	[spmem:s16] =	stream.linear.scatter [tilespmem:s18], [sflag:$0x2], $0x2000, $0x38;
	[tilespmem:$0x1F000] =	vst v63  }
0x42: {  	_ =	swait.ge [sflag:s19], $0x2000  }
0x43: {  	[sflag:s19] =	ssyncset.done $0x0  }
0x44: {  	[sflag:s19] =	ssyncadd.s32 $0xFFFFE000  }
0x45: {  	[spmem:s17] =	stream.linear.scatter [tilespmem:s18], [sflag:$0x2], $0x2000, $0x38;
	[tilespmem:$0x1F000] =	vst v63  }
0x46: {  	_ =	swait.ge [sflag:s19], $0x2000  }
0x47: {  	[sflag:s19] =	ssyncset.done $0x0  }
0x48: {  	[sflag:s19] =	ssyncadd.s32 $0xFFFFE000  }
0x49: {  	s29 =	simm.s32 $0x0;
	[bflag:$0x0] =	sbarrier.arrive $0xFFFF  }
0x4a: {  	[tilespmem:s29], [sflag:$0x2] =	stream.linear.gather [hbm4b:s6+s29], $0x2780, $0x38;
	[tilespmem:$0x1F000] =	vst v63  }
0x4b: {  	_ =	swait.ge [sflag:s19], $0x2780  }
0x4c: {  	[sflag:s19] =	ssyncset.done $0x0  }
0x4d: {  	[sflag:s19] =	ssyncadd.s32 $0xFFFFD880  }
0x4e: {  	[tilespmem:s20], [sflag:$0x2] =	stream.linear.gather [hbm4b:s7+s29], $0x2780, $0x38;
	[tilespmem:$0x1F000] =	vst v63  }
0x4f: {  	_ =	swait.ge [sflag:s19], $0x2780  }
0x50: {  	[sflag:s19] =	ssyncset.done $0x0  }
0x51: {  	s30 =	simm.s32 $0x0;
	[sflag:s19] =	ssyncadd.s32 $0xFFFFD880  }
0x52: {  	[tilespmem:s22], [sflag:$0x1] =	stream.indirect.gather [hbm4b:s4+s21], $0x80, s30, s21, $0xb8;
	[tilespmem:$0x1F000] =	vst v63  }
0x53: {  	_ =	swait.ge [sflag:s23], $0x4000  }
0x54: {  	[sflag:s23] =	ssyncset.done $0x0  }
0x55: {  	s31 =	simm.s32 $0x2800;
	[sflag:s23] =	ssyncadd.s32 $0xFFFFC000  }
0x56: {  	[spmem:s2] =	stream.indirect.scatter.add.f32 [tilespmem:s22], [sflag:$0x2], $0x80, s31, s21, $0xb8;
	[tilespmem:$0x1F000] =	vst v63  }
0x57: {  	_ =	swait.ge [sflag:s19], $0x4000  }
0x58: {  	s25 =	simm.s32 $0x200;
	s26 =	simm.s32 $0x400;
	[sflag:s19] =	ssyncset.done $0x0  }
.LBB2_4:
0x59: {  	s28 =	sshra.s32 s25, $0x2  }
0x5a: {  	[sflag:s19] =	ssyncadd.s32 $0xFFFFC000;
	s25 =	smov.u32 s26;
	s29 =	sadd.s32 $0x200, s26  }
0x5b: {  	[tilespmem:s22], [sflag:$0x1] =	stream.indirect.gather [hbm4b:s4+s21], $0x80, s28, s21, $0xb8;
	[tilespmem:$0x1F000] =	vst v63  }
0x5c: {  	p0 =	sne.s32 s26, $0x9C00;
	_ =	swait.ge [sflag:s23], $0x4000  }
.Ltmp1:
0x5d: {  	[sflag:s23] =	ssyncset.done $0x0;
	(pc) =	sbr.rel @p0 .LBB2_4-.Ltmp1, $4  }
0x5e: {  	s26 =	sadd.s32 $0x2800, s28;
	[sflag:s23] =	ssyncadd.s32 $0xFFFFC000  }
0x5f: {  	[spmem:s2] =	stream.indirect.scatter.add.f32 [tilespmem:s22], [sflag:$0x2], $0x80, s26, s21, $0xb8;
	[tilespmem:$0x1F000] =	vst v63  }
0x60: {  	_ =	swait.ge [sflag:s19], $0x4000  }
0x61: {  	s26 =	smov.u32 s29;
	[sflag:s19] =	ssyncset.done $0x0  }
0x62: {  	s25 =	sshra.s32 s25, $0x2;
	[sflag:s19] =	ssyncadd.s32 $0xFFFFC000  }
0x63: {  	[tilespmem:s22], [sflag:$0x1] =	stream.indirect.gather [hbm4b:s4+s21], $0x80, s25, s21, $0xb8;
	[tilespmem:$0x1F000] =	vst v63  }
0x64: {  	_ =	swait.ge [sflag:s23], $0x4000  }
0x65: {  	[sflag:s23] =	ssyncset.done $0x0  }
0x66: {  	s25 =	sadd.s32 $0x2800, s25;
	[sflag:s23] =	ssyncadd.s32 $0xFFFFC000  }
0x67: {  	[spmem:s2] =	stream.indirect.scatter.add.f32 [tilespmem:s22], [sflag:$0x2], $0x80, s25, s21, $0xb8;
	[tilespmem:$0x1F000] =	vst v63  }
0x68: {  	_ =	swait.ge [sflag:s19], $0x4000  }
0x69: {  	s31 =	sshll.u32 s0, $0x6;
	s3 =	sadd.s32 $0x1, s3;
	[sflag:s19] =	ssyncset.done $0x0  }
0x6a: {  	s26 =	sshrl.u32 s5, $0x3;
	p0 =	sne.s32 s3, s8;
	[sflag:s19] =	ssyncadd.s32 $0xFFFFC000  }
.Ltmp2:
0x6b: {  	s25 =	sor.u32 $0x1C02, s31;
	[bflag:$0x0] =	sbarrier.arrive $0xFFFF;
	(pc) =	sbr.rel @p0 .LBB2_1-.Ltmp2, $4  }
0x6c: {  	[hbm:s24], [sflag:s25] =	dma.local [spmem:s26], $0x2800  }
0x6d: {  	_ =	swait.ge [sflag:s19], $0x2800  }
0x6e: {  	[sflag:s19] =	ssyncset.done $0x0  }
0x6f: {  	[sflag:s19] =	ssyncadd.s32 $0xFFFFD800  }
0x70: {  	_ =	sfence.sel $0x180000  }
0x71: {  	[bflag:$0x0] =	sbarrier.arrive $0xFFFF  }
0x72: {  	p0 =	sne.s32 s0, $0x0;
	_ =	strace $0x90000050  }
0x73: {  	s0 =	sadd.s32 @!p0 $0x100000, s1;
	[bflag:$0x2] =	sbarrier.arrive $0xFFFF  }
0x74: {  	[sflag:s0] =	ssyncadd.tile.s32 @!p0 $0x1;
	_ =	shalt  }
.Lfunc_end2:
_tile_overlayer_lowered:
.L_overlay_start_2:
0x75: {  	(tag) =	ssettag $0x2  }
0x76: {  	s0 =	rddreg [dreg:$0x0];
	s2 =	stileid.u32  }
0x77: {  	s1 =	rddreg [dreg:$0x1];
	p0 =	sne.s32 s2, $0x0  }
0x78: {  	s3 =	rddreg [dreg:$0x2];
	[bflag:$0x3] =	sbarrier.arrive $0xFFFF;
	s2 =	simm.s32 @!p0 $0x1C02  }
0x79: {  	[timem:s3], [sflag:s2] =	dma.local @!p0 [hbm:s0], s1  }
0x7a: {  	s0 =	simm.s32 @!p0 $0x2  }
0x7b: {  	_ =	swait.ge @!p0 [sflag:s0], s1  }
0x7c: {  	s1 =	ssub.s32 @!p0 $0x0, s1;
	[sflag:s0] =	ssyncset.done @!p0 $0x0  }
0x7d: {  	[sflag:s0] =	ssyncadd.s32 @!p0 s1  }
0x7e: {  	[bflag:$0x3] =	sbarrier.arrive $0xFFFF  }
0x7f: {  	_ =	shalt  }

</sc_bundles>
